<compile_context>
chip_gen: v7x
topology: tpu7x:2x2x1
jax: 0.10.2.dev20260603
libtpu: 0.0.44.dev20260713+nightly
codegen_flags: <defaults>
</compile_context>

<pallas_src>
import functools
import math

import jax
import jax.numpy as jnp
from jax.experimental import pallas as pl

B = 16
C = 256
HW = 256
N = 512
D = 257
DP = 384
FF = 1028
FFP = 1152
NEG = float(jnp.finfo(jnp.float32).min)
INV_SQRT_D = 1.0 / math.sqrt(257.0)



def _pre_body(ss_ref, so_ref, pos_ref, tok_ref, hv_ref):
    def pool(xc):
        t = xc.T
        a = jnp.max(t.reshape(16, 2, 32, C), axis=1)
        b = jnp.max(a.reshape(16, 16, 2, C), axis=2)
        return b.reshape(HW, C)

    ps = pool(ss_ref[0])
    po = pool(so_ref[0])
    hv_ref[0, 0:1, 0:HW] = jnp.sum(ps, axis=1).reshape(1, HW)
    hv_ref[0, 0:1, HW:N] = jnp.sum(po, axis=1).reshape(1, HW)
    pos = pos_ref[...]
    tok_ref[0, 0:HW, 0:C] = ps + pos
    tok_ref[0, HW:N, 0:C] = po + pos
    ones_col = (jax.lax.broadcasted_iota(jnp.int32, (N, DP - C), 1) == 0
                ).astype(jnp.float32)
    tok_ref[0, :, C:DP] = ones_col


def _preprocess(ss, so, pos_tok):
    return pl.pallas_call(
        _pre_body,
        grid=(B,),
        in_specs=[
            pl.BlockSpec((1, C, 1024), lambda b: (b, 0, 0)),
            pl.BlockSpec((1, C, 1024), lambda b: (b, 0, 0)),
            pl.BlockSpec((HW, C), lambda b: (0, 0)),
        ],
        out_specs=[
            pl.BlockSpec((1, N, DP), lambda b: (b, 0, 0)),
            pl.BlockSpec((1, 1, N), lambda b: (b, 0, 0)),
        ],
        out_shape=[
            jax.ShapeDtypeStruct((B, N, DP), jnp.float32),
            jax.ShapeDtypeStruct((B, 1, N), jnp.float32),
        ],
    )(ss, so, pos_tok)



def _tx_body(x_ref, vm_ref, wq_ref, wk_ref, wv_ref, wo_ref,
             g1_ref, c1_ref, g2_ref, c2_ref, w1_ref, bb1_ref,
             w2_ref, bb2_ref, out_ref):
    x = x_ref[0]
    vm = vm_ref[0]
    x = x * vm.T
    dmask = (jax.lax.broadcasted_iota(jnp.int32, (1, DP), 1) < D
             ).astype(jnp.float32)

    def ln(z, g, c):
        mu = jnp.sum(z, axis=1, keepdims=True) * (1.0 / D)
        zc = (z - mu) * dmask
        var = jnp.sum(zc * zc, axis=1, keepdims=True) * (1.0 / D)
        return zc * jax.lax.rsqrt(var + 1e-5) * g + c

    f32 = jnp.float32
    for li in range(2):
        h = ln(x, g1_ref[li], c1_ref[li])
        q = jnp.dot(h, wq_ref[li], preferred_element_type=f32)
        k = jnp.dot(h, wk_ref[li], preferred_element_type=f32)
        v = jnp.dot(h, wv_ref[li], preferred_element_type=f32)
        s = jax.lax.dot_general(q, k, (((1,), (1,)), ((), ())),
                                preferred_element_type=f32) * INV_SQRT_D
        s = jnp.where(vm > 0.0, s, NEG)
        m = jnp.max(s, axis=1, keepdims=True)
        e = jnp.exp(s - m)
        p = e / jnp.sum(e, axis=1, keepdims=True)
        o = jnp.dot(p, v, preferred_element_type=f32)
        x = x + jnp.dot(o, wo_ref[li], preferred_element_type=f32)
        h2 = ln(x, g2_ref[li], c2_ref[li])
        a = jax.nn.gelu(jnp.dot(h2, w1_ref[li], preferred_element_type=f32)
                        + bb1_ref[li])
        x = x + jnp.dot(a, w2_ref[li], preferred_element_type=f32) + bb2_ref[li]

    out_ref[0] = x[N - 1:N, :]


def _transformer(xg, vmask, ws):
    full3 = lambda shape: pl.BlockSpec(shape, lambda b: (0, 0, 0))
    return pl.pallas_call(
        _tx_body,
        grid=(B,),
        in_specs=[
            pl.BlockSpec((1, N, DP), lambda b: (b, 0, 0)),
            pl.BlockSpec((1, 1, N), lambda b: (b, 0, 0)),
            full3((2, DP, DP)), full3((2, DP, DP)),
            full3((2, DP, DP)), full3((2, DP, DP)),
            full3((2, 1, DP)), full3((2, 1, DP)),
            full3((2, 1, DP)), full3((2, 1, DP)),
            full3((2, DP, FFP)), full3((2, 1, FFP)),
            full3((2, FFP, DP)), full3((2, 1, DP)),
        ],
        out_specs=pl.BlockSpec((1, 1, DP), lambda b: (b, 0, 0)),
        out_shape=jax.ShapeDtypeStruct((B, 1, DP), jnp.float32),
    )(xg, vmask, *ws)



def _heads_body(hc_ref, fw_ref, fb_ref, hw_ref, hb_ref, out_ref):
    f32 = jnp.float32
    pred = jnp.maximum(
        jnp.dot(hc_ref[...], fw_ref[...], preferred_element_type=f32)
        + fb_ref[...], 0.0)
    z = jnp.dot(pred, hw_ref[...], preferred_element_type=f32) + hb_ref[...]

    def lsm(seg):
        m = jnp.max(seg, axis=1, keepdims=True)
        lse = jnp.log(jnp.sum(jnp.exp(seg - m), axis=1, keepdims=True)) + m
        return seg - lse

    sup = lsm(z[:, 50:53])
    r1 = lsm(z[:, 0:15]) + sup[:, 0:1]
    r2 = lsm(z[:, 15:26]) + sup[:, 1:2]
    r3 = lsm(z[:, 26:50]) + sup[:, 2:3]
    conn = z[:, 53:54]
    out_ref[...] = jnp.concatenate(
        [r1, r2, r3, sup, conn, jnp.zeros((B, 74), f32)], axis=1)


def _heads(hc, fw, fb, hwts, hb):
    full2 = lambda shape: pl.BlockSpec(shape, lambda: (0, 0))
    return pl.pallas_call(
        _heads_body,
        in_specs=[full2(hc.shape), full2(fw.shape), full2(fb.shape),
                  full2(hwts.shape), full2(hb.shape)],
        out_specs=full2((B, 128)),
        out_shape=jax.ShapeDtypeStruct((B, 128), jnp.float32),
    )(hc, fw, fb, hwts, hb)



def kernel(src_sub, src_obj, cat_sub, cat_obj, scat_sub, scat_obj, params):
    f32 = jnp.float32
    pe = params['pe']
    pos_tok = jnp.transpose(pe[:16, :16], (1, 0, 2)).reshape(HW, 255)
    pos_tok = jnp.pad(pos_tok, ((0, 0), (0, 1)))

    tokens, hv = _preprocess(src_sub.reshape(B, C, 1024),
                             src_obj.reshape(B, C, 1024), pos_tok)

    hvb = hv[:, 0, :] != 0.0
    seq_lens = jnp.sum(hvb, axis=1)
    order = jnp.argsort(~hvb, axis=1, stable=True)
    tok_g = jnp.take_along_axis(tokens, order[:, :, None], axis=1)
    valid = jnp.arange(N)[None, :] < seq_lens[:, None]
    vmask = valid.astype(f32).reshape(B, 1, N)

    def padw(w, r, c):
        return jnp.pad(w, ((0, r), (0, c)))

    def padv(v, c):
        return jnp.pad(v, (0, c)).reshape(1, -1)

    L = params['layers']
    ws = []
    for key in ('wq', 'wk', 'wv', 'wo'):
        ws.append(jnp.stack([padw(L[li][key], DP - D, DP - D)
                             for li in range(2)]))
    for key in ('ln1_g', 'ln1_b', 'ln2_g', 'ln2_b'):
        ws.append(jnp.stack([padv(L[li][key], DP - D) for li in range(2)]))
    ws.append(jnp.stack([padw(L[li]['w1'], DP - D, FFP - FF)
                         for li in range(2)]))
    ws.append(jnp.stack([padv(L[li]['b1'], FFP - FF) for li in range(2)]))
    ws.append(jnp.stack([padw(L[li]['w2'], FFP - FF, DP - D)
                         for li in range(2)]))
    ws.append(jnp.stack([padv(L[li]['b2'], DP - D) for li in range(2)]))

    hidden = _transformer(tok_g, vmask, ws)[:, 0, :D]

    c1 = jax.nn.one_hot(cat_sub, 150, dtype=f32)
    c2 = jax.nn.one_hot(cat_obj, 150, dtype=f32)
    hc = jnp.concatenate([hidden, c1, c2, scat_sub, scat_obj], axis=1)
    hc = jnp.pad(hc, ((0, 0), (0, 640 - 591)))

    fw = padw(params['fc1_w'], 640 - 591, DP - D)
    fb = padv(params['fc1_b'], DP - D)
    hwts = jnp.concatenate([params['fc21_w'], params['fc22_w'],
                            params['fc23_w'], params['fc3_w'],
                            params['fc4_w']], axis=1)
    hwts = padw(hwts, DP - D, 128 - 54)
    hb = padv(jnp.concatenate([params['fc21_b'], params['fc22_b'],
                               params['fc23_b'], params['fc3_b'],
                               params['fc4_b']]), 128 - 54)

    out = _heads(hc, fw, fb, hwts, hb)
    return (out[:, 0:15], out[:, 15:26], out[:, 26:50],
            out[:, 50:53], out[:, 53:54])

# --- scband reference (transcript-rebuilt; emitter-appended) ---
"""Pipeline reference for scband-transformer-encoder-75548474736800 (READ-ONLY COPY).

The authoritative reference and input builder live on the scoring server;
editing this copy changes nothing except your own understanding.
"""

import jax, jax.numpy as jnp
import numpy as np
import math

D_MODEL = 256
NUM_CLASSES = 150
NUM_SUPER = 17
NUM_LAYERS = 2
NHEAD = 12  # placeholder, real value below
NHEAD = 8
HEAD_DIM = D_MODEL // NHEAD
D_FF = 4 * D_MODEL
NUM_GEO = 15
NUM_POSS = 11
NUM_SEM = 24
MAX_LEN = 64  # covers pooled 16x16 spatial positions


def pos_encoding_2d(d_model, max_len):
    # d_model here is D_MODEL - 1 = 255 (odd)
    position_i = np.arange(max_len)[:, None].repeat(max_len, axis=1)
    position_j = np.arange(max_len)[None, :].repeat(max_len, axis=0)
    position = (position_i + position_j)[:, :, None].astype(np.float32)
    div_term = np.exp(np.arange(0, d_model, 2) * (-math.log(10000.0) / d_model)).astype(np.float32)
    pe = np.zeros((max_len, max_len, d_model), dtype=np.float32)
    pe[:, :, 0::2] = np.sin(position * div_term)
    cos_part = np.cos(position * div_term)
    pe[:, :, 1::2] = cos_part[:, :, : d_model // 2]
    return jnp.asarray(pe)


def layer_norm(x, g, b, eps=1e-5):
    mu = jnp.mean(x, axis=-1, keepdims=True)
    var = jnp.var(x, axis=-1, keepdims=True)
    return (x - mu) / jnp.sqrt(var + eps) * g + b


def attention_block(x, mask, p):
    # pre-norm full attention (faithful math stand-in for LSH attention:
    # LSH attention computes softmax attention within buckets; with a
    # deterministic reference we compute masked softmax attention)
    B, N, D = x.shape
    h = layer_norm(x, p['ln1_g'], p['ln1_b'])
    q = h @ p['wq']
    k = h @ p['wk']
    v = h @ p['wv']
    q = q.reshape(B, N, NHEAD, HEAD_DIM).transpose(0, 2, 1, 3)
    k = k.reshape(B, N, NHEAD, HEAD_DIM).transpose(0, 2, 1, 3)
    v = v.reshape(B, N, NHEAD, HEAD_DIM).transpose(0, 2, 1, 3)
    scores = jnp.einsum('bhid,bhjd->bhij', q, k) / jnp.sqrt(HEAD_DIM)
    # mask: [B, N] True = valid
    neg = jnp.finfo(scores.dtype).min
    scores = jnp.where(mask[:, None, None, :], scores, neg)
    attn = jax.nn.softmax(scores, axis=-1)
    out = jnp.einsum('bhij,bhjd->bhid', attn, v)
    out = out.transpose(0, 2, 1, 3).reshape(B, N, D)
    x = x + out @ p['wo']
    # feed-forward
    h = layer_norm(x, p['ln2_g'], p['ln2_b'])
    h = jax.nn.gelu(h @ p['w1'] + p['b1'])
    x = x + h @ p['w2'] + p['b2']
    return x


def maxpool2x2(x):
    # x: [B, C, H, W]
    B, C, H, W = x.shape
    x = x.reshape(B, C, H // 2, 2, W // 2, 2)
    return jnp.max(x, axis=(3, 5))


def forward(src_sub, src_obj, cat_sub, cat_obj, scat_sub, scat_obj, params):
    pe = params['pe']  # [max_len, max_len, D_MODEL-1]
    src_sub = maxpool2x2(src_sub)
    src_obj = maxpool2x2(src_obj)
    B, C, H, W = src_sub.shape
    # has_value computed before pos encoding
    hv_sub = jnp.sum(src_sub.reshape(B, C, H * W), axis=1) != 0  # [B, HW]
    hv_obj = jnp.sum(src_obj.reshape(B, C, H * W), axis=1) != 0
    has_value = jnp.concatenate([hv_sub, hv_obj], axis=1)  # [B, 2HW]

    # positional encoding: pe[:H, :W] permute(2,1,0) -> [d, W, H]; x has [B, d, H, W]?
    # torch: x + pe[:H,:W].permute(2,1,0) broadcasts [d_model-1, W, H] onto [B, C, H, W]
    # with randn inputs H==W so shapes align; C must be d_model-1... here C=256, pe d=255.
    # In the original, input_dim channels match d_model-1. We use C-1 pos dim and pad.
    pos = jnp.transpose(pe[:H, :W], (2, 1, 0))  # [d-1, W, H] == [255, H, W] since H==W
    # pad pos to C channels with zeros to keep math well-defined
    pos_p = jnp.concatenate([pos, jnp.zeros((C - pos.shape[0], H, W), pos.dtype)], axis=0)
    ss = src_sub + pos_p[None]
    so = src_obj + pos_p[None]

    ss = ss.reshape(B, C, H * W)
    ss = jnp.concatenate([ss, jnp.ones((B, 1, H * W))], axis=1)  # ones row appended -> channel dim C+1
    ss = ss.transpose(0, 2, 1)  # [B, HW, C+1]
    so = so.reshape(B, C, H * W)
    so = jnp.concatenate([so, jnp.ones((B, 1, H * W))], axis=1)
    so = so.transpose(0, 2, 1)
    src = jnp.concatenate([ss, so], axis=1)  # [B, 2HW, C+1]
    Dm = src.shape[2]

    seq_lens = jnp.sum(has_value, axis=1)  # [B]
    max_len = src.shape[1]  # static upper bound (with randn all positions nonzero)

    # gather valid tokens to front per batch (stable)
    order = jnp.argsort(~has_value, axis=1, stable=True)  # valid first
    src_sorted = jnp.take_along_axis(src, order[:, :, None], axis=1)
    pos_idx = jnp.arange(max_len)[None, :]
    valid_mask = pos_idx < seq_lens[:, None]
    src_pad = jnp.where(valid_mask[:, :, None], src_sorted, 0.0)

    x = src_pad
    for li in range(NUM_LAYERS):
        x = attention_block(x, valid_mask, params['layers'][li])
    hidden = x[:, -1, :]  # [B, Dm]

    c1 = jax.nn.one_hot(cat_sub, NUM_CLASSES, dtype=hidden.dtype)
    c2 = jax.nn.one_hot(cat_obj, NUM_CLASSES, dtype=hidden.dtype)
    hc = jnp.concatenate([hidden, c1, c2, scat_sub, scat_obj], axis=1)

    pred = jax.nn.relu(hc @ params['fc1_w'] + params['fc1_b'])
    connectivity = pred @ params['fc4_w'] + params['fc4_b']
    super_rel = jax.nn.log_softmax(pred @ params['fc3_w'] + params['fc3_b'], axis=1)
    r1 = jax.nn.log_softmax(pred @ params['fc21_w'] + params['fc21_b'], axis=1) + super_rel[:, 0:1]
    r2 = jax.nn.log_softmax(pred @ params['fc22_w'] + params['fc22_b'], axis=1) + super_rel[:, 1:2]
    r3 = jax.nn.log_softmax(pred @ params['fc23_w'] + params['fc23_b'], axis=1) + super_rel[:, 2:3]
    return (r1, r2, r3, super_rel, connectivity)


def setup_inputs(seed: int = 0) -> dict:
    key = jax.random.key(seed)
    ks = jax.random.split(key, 40)
    B = 16
    C = 256
    HW = 32
    src_sub = jax.random.normal(ks[0], (B, C, HW, HW), dtype=jnp.float32)
    src_obj = jax.random.normal(ks[1], (B, C, HW, HW), dtype=jnp.float32)
    cat_sub = jax.random.randint(ks[2], (B,), 0, NUM_CLASSES)
    cat_obj = jax.random.randint(ks[3], (B,), 0, NUM_CLASSES)
    scat_sub = jax.random.uniform(ks[4], (B, NUM_SUPER), dtype=jnp.float32)
    scat_obj = jax.random.uniform(ks[5], (B, NUM_SUPER), dtype=jnp.float32)

    Dm = C + 1  # token dim after ones concat = 257... but weights built for that
    Dm = 257
    Hd = Dm  # attention works in token dim
    global NHEAD, HEAD_DIM
    # choose head partitioning compatible with Dm=257? Not divisible; project to D_MODEL first is messy.
    # Instead attention params map Dm->Dm via NHEAD heads of size Dm//NHEAD with remainder dropped is wrong.
    # Use single effective head count that divides: we pad Dm to 264 inside? Simpler: use 1 head.
    sc = 0.02
    layers = []
    kidx = 6
    for li in range(NUM_LAYERS):
        p = {
            'ln1_g': jnp.ones((Dm,)), 'ln1_b': jnp.zeros((Dm,)),
            'wq': jax.random.normal(ks[kidx], (Dm, Dm)) * sc,
            'wk': jax.random.normal(ks[kidx + 1], (Dm, Dm)) * sc,
            'wv': jax.random.normal(ks[kidx + 2], (Dm, Dm)) * sc,
            'wo': jax.random.normal(ks[kidx + 3], (Dm, Dm)) * sc,
            'ln2_g': jnp.ones((Dm,)), 'ln2_b': jnp.zeros((Dm,)),
            'w1': jax.random.normal(ks[kidx + 4], (Dm, 4 * Dm)) * sc,
            'b1': jnp.zeros((4 * Dm,)),
            'w2': jax.random.normal(ks[kidx + 5], (4 * Dm, Dm)) * sc,
            'b2': jnp.zeros((Dm,)),
        }
        layers.append(p)
        kidx += 6
    fc1_in = Dm + 2 * (NUM_CLASSES + NUM_SUPER)
    params = {
        'pe': pos_encoding_2d(C - 1, MAX_LEN),
        'layers': layers,
        'fc1_w': jax.random.normal(ks[kidx], (fc1_in, Dm)) * sc,
        'fc1_b': jnp.zeros((Dm,)),
        'fc21_w': jax.random.normal(ks[kidx + 1], (Dm, NUM_GEO)) * sc,
        'fc21_b': jnp.zeros((NUM_GEO,)),
        'fc22_w': jax.random.normal(ks[kidx + 2], (Dm, NUM_POSS)) * sc,
        'fc22_b': jnp.zeros((NUM_POSS,)),
        'fc23_w': jax.random.normal(ks[kidx + 3], (Dm, NUM_SEM)) * sc,
        'fc23_b': jnp.zeros((NUM_SEM,)),
        'fc3_w': jax.random.normal(ks[kidx + 4], (Dm, 3)) * sc,
        'fc3_b': jnp.zeros((3,)),
        'fc4_w': jax.random.normal(ks[kidx + 5], (Dm, 1)) * sc,
        'fc4_b': jnp.zeros((1,)),
    }
    return {'src_sub': src_sub, 'src_obj': src_obj, 'cat_sub': cat_sub,
            'cat_obj': cat_obj, 'scat_sub': scat_sub, 'scat_obj': scat_obj,
            'params': params}


# use 1 head since Dm=257 is prime-ish; redefine attention head constants
NHEAD = 1
HEAD_DIM = 257


def reference(src_sub, src_obj, cat_sub, cat_obj, scat_sub, scat_obj, params):
    return forward(src_sub, src_obj, cat_sub, cat_obj, scat_sub, scat_obj, params)

if __name__ == "__main__":
    import jax
    _d = setup_inputs()
    print(jax.jit(kernel)(*tuple(_d.values())))

</pallas_src>

<mosaic_0001>
module attributes {stable_mosaic.version = 14 : i64} {
  func.func @_pre_body(%arg0: i32, %arg1: memref<1x256x1024xf32, #tpu.memory_space<vmem>>, %arg2: memref<1x256x1024xf32, #tpu.memory_space<vmem>>, %arg3: memref<256x256xf32, #tpu.memory_space<vmem>>, %arg4: memref<1x512x384xf32, #tpu.memory_space<vmem>>, %arg5: memref<1x1x512xf32, #tpu.memory_space<vmem>>) attributes {dimension_semantics = [#tpu.dimension_semantics<arbitrary>], iteration_bounds = array<i64: 16>, scalar_prefetch = 0 : i64, scratch_operands = 0 : i64, tpu.core_type = #tpu.core_type<tc>, window_params = [{transform_indices = @transform_0, window_bounds = array<i64: 1, 256, 1024>}, {transform_indices = @transform_1, window_bounds = array<i64: 1, 256, 1024>}, {pipeline_mode = #tpu.pipeline_mode<synchronous>, transform_indices = @transform_2, window_bounds = array<i64: 256, 256>}, {transform_indices = @transform_3, window_bounds = array<i64: 1, 512, 384>}, {transform_indices = @transform_4, window_bounds = array<i64: 1, 1, 512>}]} {
    %get3A = arith.constant 0 : index
    %get3A_0 = arith.constant 0 : index
    %get3A_1 = arith.constant 0 : index
    %get3A_2 = vector.load %arg1[%get3A, %get3A_0, %get3A_1] : memref<1x256x1024xf32, #tpu.memory_space<vmem>>, vector<1x256x1024xf32>
    %get3A_3 = vector.shape_cast %get3A_2 : vector<1x256x1024xf32> to vector<256x1024xf32>
    %transpose3A = tpu.transpose %get3A_3, [1, 0] : vector<256x1024xf32> -> vector<1024x256xf32>
    %reshape3A = vector.shape_cast %transpose3A : vector<1024x256xf32> to vector<16x2x32x256xf32>
    %reduce_max3A = arith.constant dense<0xFF800000> : vector<16x32x256xf32>
    %reduce_max3A_4 = vector.multi_reduction <maximumf>, %reshape3A, %reduce_max3A [1] : vector<16x2x32x256xf32> to vector<16x32x256xf32>
    %reshape3A_5 = vector.shape_cast %reduce_max3A_4 : vector<16x32x256xf32> to vector<16x16x2x256xf32>
    %reduce_max3A_6 = arith.constant dense<0xFF800000> : vector<16x16x256xf32>
    %reduce_max3A_7 = vector.multi_reduction <maximumf>, %reshape3A_5, %reduce_max3A_6 [2] : vector<16x16x2x256xf32> to vector<16x16x256xf32>
    %reshape3A_8 = vector.shape_cast %reduce_max3A_7 : vector<16x16x256xf32> to vector<256x256xf32>
    %get3A_9 = arith.constant 0 : index
    %get3A_10 = arith.constant 0 : index
    %get3A_11 = arith.constant 0 : index
    %get3A_12 = vector.load %arg2[%get3A_9, %get3A_10, %get3A_11] : memref<1x256x1024xf32, #tpu.memory_space<vmem>>, vector<1x256x1024xf32>
    %get3A_13 = vector.shape_cast %get3A_12 : vector<1x256x1024xf32> to vector<256x1024xf32>
    %transpose3A_14 = tpu.transpose %get3A_13, [1, 0] : vector<256x1024xf32> -> vector<1024x256xf32>
    %reshape3A_15 = vector.shape_cast %transpose3A_14 : vector<1024x256xf32> to vector<16x2x32x256xf32>
    %reduce_max3A_16 = arith.constant dense<0xFF800000> : vector<16x32x256xf32>
    %reduce_max3A_17 = vector.multi_reduction <maximumf>, %reshape3A_15, %reduce_max3A_16 [1] : vector<16x2x32x256xf32> to vector<16x32x256xf32>
    %reshape3A_18 = vector.shape_cast %reduce_max3A_17 : vector<16x32x256xf32> to vector<16x16x2x256xf32>
    %reduce_max3A_19 = arith.constant dense<0xFF800000> : vector<16x16x256xf32>
    %reduce_max3A_20 = vector.multi_reduction <maximumf>, %reshape3A_18, %reduce_max3A_19 [2] : vector<16x16x2x256xf32> to vector<16x16x256xf32>
    %reshape3A_21 = vector.shape_cast %reduce_max3A_20 : vector<16x16x256xf32> to vector<256x256xf32>
    %reduce_sum3A = arith.constant dense<0.000000e+00> : vector<256xf32>
    %reduce_sum3A_22 = vector.multi_reduction <add>, %reshape3A_8, %reduce_sum3A [1] : vector<256x256xf32> to vector<256xf32>
    %reshape3A_23 = vector.shape_cast %reduce_sum3A_22 : vector<256xf32> to vector<1x256xf32>
    %swap3A = arith.constant 0 : index
    %swap3A_24 = arith.constant 0 : index
    %swap3A_25 = arith.constant 0 : index
    %swap3A_26 = vector.load %arg5[%swap3A, %swap3A_24, %swap3A_25] : memref<1x1x512xf32, #tpu.memory_space<vmem>>, vector<1x1x256xf32>
    %swap3A_27 = vector.shape_cast %swap3A_26 : vector<1x1x256xf32> to vector<1x256xf32>
    %swap3A_28 = vector.shape_cast %reshape3A_23 : vector<1x256xf32> to vector<1x1x256xf32>
    tpu.vector_store %arg5[%swap3A, %swap3A_24, %swap3A_25], %swap3A_28 {strides = array<i32>} : memref<1x1x512xf32, #tpu.memory_space<vmem>>, vector<1x1x256xf32>,
    %reduce_sum3A_29 = arith.constant dense<0.000000e+00> : vector<256xf32>
    %reduce_sum3A_30 = vector.multi_reduction <add>, %reshape3A_21, %reduce_sum3A_29 [1] : vector<256x256xf32> to vector<256xf32>
    %reshape3A_31 = vector.shape_cast %reduce_sum3A_30 : vector<256xf32> to vector<1x256xf32>
    %swap3A_32 = arith.constant 0 : index
    %swap3A_33 = arith.constant 0 : index
    %swap3A_34 = arith.constant 256 : index
    %swap3A_35 = vector.load %arg5[%swap3A_32, %swap3A_33, %swap3A_34] : memref<1x1x512xf32, #tpu.memory_space<vmem>>, vector<1x1x256xf32>
    %swap3A_36 = vector.shape_cast %swap3A_35 : vector<1x1x256xf32> to vector<1x256xf32>
    %swap3A_37 = vector.shape_cast %reshape3A_31 : vector<1x256xf32> to vector<1x1x256xf32>
    tpu.vector_store %arg5[%swap3A_32, %swap3A_33, %swap3A_34], %swap3A_37 {strides = array<i32>} : memref<1x1x512xf32, #tpu.memory_space<vmem>>, vector<1x1x256xf32>,
    %get3A_38 = arith.constant 0 : index
    %get3A_39 = arith.constant 0 : index
    %get3A_40 = vector.load %arg3[%get3A_38, %get3A_39] : memref<256x256xf32, #tpu.memory_space<vmem>>, vector<256x256xf32>
    %add3A = arith.addf %reshape3A_8, %get3A_40 : vector<256x256xf32>
    %swap3A_41 = arith.constant 0 : index
    %swap3A_42 = arith.constant 0 : index
    %swap3A_43 = arith.constant 0 : index
    %swap3A_44 = vector.load %arg4[%swap3A_41, %swap3A_42, %swap3A_43] : memref<1x512x384xf32, #tpu.memory_space<vmem>>, vector<1x256x256xf32>
    %swap3A_45 = vector.shape_cast %swap3A_44 : vector<1x256x256xf32> to vector<256x256xf32>
    %swap3A_46 = vector.shape_cast %add3A : vector<256x256xf32> to vector<1x256x256xf32>
    tpu.vector_store %arg4[%swap3A_41, %swap3A_42, %swap3A_43], %swap3A_46 {strides = array<i32>} : memref<1x512x384xf32, #tpu.memory_space<vmem>>, vector<1x256x256xf32>,
    %add3A_47 = arith.addf %reshape3A_21, %get3A_40 : vector<256x256xf32>
    %swap3A_48 = arith.constant 0 : index
    %swap3A_49 = arith.constant 256 : index
    %swap3A_50 = arith.constant 0 : index
    %swap3A_51 = vector.load %arg4[%swap3A_48, %swap3A_49, %swap3A_50] : memref<1x512x384xf32, #tpu.memory_space<vmem>>, vector<1x256x256xf32>
    %swap3A_52 = vector.shape_cast %swap3A_51 : vector<1x256x256xf32> to vector<256x256xf32>
    %swap3A_53 = vector.shape_cast %add3A_47 : vector<256x256xf32> to vector<1x256x256xf32>
    tpu.vector_store %arg4[%swap3A_48, %swap3A_49, %swap3A_50], %swap3A_53 {strides = array<i32>} : memref<1x512x384xf32, #tpu.memory_space<vmem>>, vector<1x256x256xf32>,
    %iota3A = tpu.iota {dimensions = array<i32: 1>} : vector<512x128xi32>
    %eq3A = arith.constant 0 : i32
    %eq3A_54 = vector.broadcast %eq3A : i32 to vector<512x128xi32>
    %eq3A_55 = arith.cmpi eq, %iota3A, %eq3A_54 : vector<512x128xi32>
    %convert_element_type3A = arith.extui %eq3A_55 : vector<512x128xi1> to vector<512x128xi32>
    %convert_element_type3A_56 = arith.sitofp %convert_element_type3A : vector<512x128xi32> to vector<512x128xf32>
    %swap3A_57 = arith.constant 0 : index
    %swap3A_58 = arith.constant 0 : index
    %swap3A_59 = arith.constant 256 : index
    %swap3A_60 = vector.load %arg4[%swap3A_57, %swap3A_58, %swap3A_59] : memref<1x512x384xf32, #tpu.memory_space<vmem>>, vector<1x512x128xf32>
    %swap3A_61 = vector.shape_cast %swap3A_60 : vector<1x512x128xf32> to vector<512x128xf32>
    %swap3A_62 = vector.shape_cast %convert_element_type3A_56 : vector<512x128xf32> to vector<1x512x128xf32>
    tpu.vector_store %arg4[%swap3A_57, %swap3A_58, %swap3A_59], %swap3A_62 {strides = array<i32>} : memref<1x512x384xf32, #tpu.memory_space<vmem>>, vector<1x512x128xf32>,
    return
  }
  func.func @transform_0(%arg0: i32) -> (i32, i32, i32) {
    %c0_i32 = arith.constant 0 : i32
    %c0_i32_0 = arith.constant 0 : i32
    %c0_i32_1 = arith.constant 0 : i32
    return %arg0, %c0_i32, %c0_i32_0 : i32, i32, i32
  }
  func.func @transform_1(%arg0: i32) -> (i32, i32, i32) {
    %c0_i32 = arith.constant 0 : i32
    %c0_i32_0 = arith.constant 0 : i32
    %c0_i32_1 = arith.constant 0 : i32
    return %arg0, %c0_i32, %c0_i32_0 : i32, i32, i32
  }
  func.func @transform_2(%arg0: i32) -> (i32, i32) {
    %c0_i32 = arith.constant 0 : i32
    %c0_i32_0 = arith.constant 0 : i32
    %c0_i32_1 = arith.constant 0 : i32
    return %c0_i32, %c0_i32_0 : i32, i32
  }
  func.func @transform_3(%arg0: i32) -> (i32, i32, i32) {
    %c0_i32 = arith.constant 0 : i32
    %c0_i32_0 = arith.constant 0 : i32
    %c0_i32_1 = arith.constant 0 : i32
    return %arg0, %c0_i32, %c0_i32_0 : i32, i32, i32
  }
  func.func @transform_4(%arg0: i32) -> (i32, i32, i32) {
    %c0_i32 = arith.constant 0 : i32
    %c0_i32_0 = arith.constant 0 : i32
    %c0_i32_1 = arith.constant 0 : i32
    return %arg0, %c0_i32, %c0_i32_0 : i32, i32, i32
  }
}

module attributes {stable_mosaic.version = 14 : i64} {
  func.func @_tx_body(%arg0: i32, %arg1: memref<1x512x384xf32, #tpu.memory_space<vmem>>, %arg2: memref<1x1x512xf32, #tpu.memory_space<vmem>>, %arg3: memref<2x384x384xf32, #tpu.memory_space<vmem>>, %arg4: memref<2x384x384xf32, #tpu.memory_space<vmem>>, %arg5: memref<2x384x384xf32, #tpu.memory_space<vmem>>, %arg6: memref<2x384x384xf32, #tpu.memory_space<vmem>>, %arg7: memref<2x1x384xf32, #tpu.memory_space<vmem>>, %arg8: memref<2x1x384xf32, #tpu.memory_space<vmem>>, %arg9: memref<2x1x384xf32, #tpu.memory_space<vmem>>, %arg10: memref<2x1x384xf32, #tpu.memory_space<vmem>>, %arg11: memref<2x384x1152xf32, #tpu.memory_space<vmem>>, %arg12: memref<2x1x1152xf32, #tpu.memory_space<vmem>>, %arg13: memref<2x1152x384xf32, #tpu.memory_space<vmem>>, %arg14: memref<2x1x384xf32, #tpu.memory_space<vmem>>, %arg15: memref<1x1x384xf32, #tpu.memory_space<vmem>>) attributes {dimension_semantics = [#tpu.dimension_semantics<arbitrary>], iteration_bounds = array<i64: 16>, scalar_prefetch = 0 : i64, scratch_operands = 0 : i64, tpu.core_type = #tpu.core_type<tc>, window_params = [{transform_indices = @transform_0, window_bounds = array<i64: 1, 512, 384>}, {transform_indices = @transform_1, window_bounds = array<i64: 1, 1, 512>}, {pipeline_mode = #tpu.pipeline_mode<synchronous>, transform_indices = @transform_2, window_bounds = array<i64: 2, 384, 384>}, {pipeline_mode = #tpu.pipeline_mode<synchronous>, transform_indices = @transform_3, window_bounds = array<i64: 2, 384, 384>}, {pipeline_mode = #tpu.pipeline_mode<synchronous>, transform_indices = @transform_4, window_bounds = array<i64: 2, 384, 384>}, {pipeline_mode = #tpu.pipeline_mode<synchronous>, transform_indices = @transform_5, window_bounds = array<i64: 2, 384, 384>}, {pipeline_mode = #tpu.pipeline_mode<synchronous>, transform_indices = @transform_6, window_bounds = array<i64: 2, 1, 384>}, {pipeline_mode = #tpu.pipeline_mode<synchronous>, transform_indices = @transform_7, window_bounds = array<i64: 2, 1, 384>}, {pipeline_mode = #tpu.pipeline_mode<synchronous>, transform_indices = @transform_8, window_bounds = array<i64: 2, 1, 384>}, {pipeline_mode = #tpu.pipeline_mode<synchronous>, transform_indices = @transform_9, window_bounds = array<i64: 2, 1, 384>}, {pipeline_mode = #tpu.pipeline_mode<synchronous>, transform_indices = @transform_10, window_bounds = array<i64: 2, 384, 1152>}, {pipeline_mode = #tpu.pipeline_mode<synchronous>, transform_indices = @transform_11, window_bounds = array<i64: 2, 1, 1152>}, {pipeline_mode = #tpu.pipeline_mode<synchronous>, transform_indices = @transform_12, window_bounds = array<i64: 2, 1152, 384>}, {pipeline_mode = #tpu.pipeline_mode<synchronous>, transform_indices = @transform_13, window_bounds = array<i64: 2, 1, 384>}, {transform_indices = @transform_14, window_bounds = array<i64: 1, 1, 384>}]} {
    %get3A = arith.constant 0 : index
    %get3A_0 = arith.constant 0 : index
    %get3A_1 = arith.constant 0 : index
    %get3A_2 = vector.load %arg1[%get3A, %get3A_0, %get3A_1] : memref<1x512x384xf32, #tpu.memory_space<vmem>>, vector<1x512x384xf32>
    %get3A_3 = vector.shape_cast %get3A_2 : vector<1x512x384xf32> to vector<512x384xf32>
    %get3A_4 = arith.constant 0 : index
    %get3A_5 = arith.constant 0 : index
    %get3A_6 = arith.constant 0 : index
    %get3A_7 = vector.load %arg2[%get3A_4, %get3A_5, %get3A_6] : memref<1x1x512xf32, #tpu.memory_space<vmem>>, vector<1x1x512xf32>
    %get3A_8 = vector.shape_cast %get3A_7 : vector<1x1x512xf32> to vector<1x512xf32>
    %transpose3A = tpu.transpose %get3A_8, [1, 0] : vector<1x512xf32> -> vector<512x1xf32>
    %mul3A = vector.broadcast %transpose3A : vector<512x1xf32> to vector<512x384xf32>
    %mul3A_9 = arith.mulf %get3A_3, %mul3A : vector<512x384xf32>
    %iota3A = tpu.iota {dimensions = array<i32: 1>} : vector<1x384xi32>
    %lt3A = arith.constant 257 : i32
    %lt3A_10 = vector.broadcast %lt3A : i32 to vector<1x384xi32>
    %lt3A_11 = arith.cmpi slt, %iota3A, %lt3A_10 : vector<1x384xi32>
    %convert_element_type3A = arith.extui %lt3A_11 : vector<1x384xi1> to vector<1x384xi32>
    %convert_element_type3A_12 = arith.sitofp %convert_element_type3A : vector<1x384xi32> to vector<1x384xf32>
    %get3A_13 = arith.constant 0 : index
    %get3A_14 = arith.constant 0 : index
    %get3A_15 = arith.constant 0 : index
    %get3A_16 = vector.load %arg7[%get3A_13, %get3A_14, %get3A_15] : memref<2x1x384xf32, #tpu.memory_space<vmem>>, vector<1x1x384xf32>
    %get3A_17 = vector.shape_cast %get3A_16 : vector<1x1x384xf32> to vector<1x384xf32>
    %get3A_18 = arith.constant 0 : index
    %get3A_19 = arith.constant 0 : index
    %get3A_20 = arith.constant 0 : index
    %get3A_21 = vector.load %arg8[%get3A_18, %get3A_19, %get3A_20] : memref<2x1x384xf32, #tpu.memory_space<vmem>>, vector<1x1x384xf32>
    %get3A_22 = vector.shape_cast %get3A_21 : vector<1x1x384xf32> to vector<1x384xf32>
    %reduce_sum3A = arith.constant dense<0.000000e+00> : vector<512xf32>
    %reduce_sum3A_23 = vector.multi_reduction <add>, %mul3A_9, %reduce_sum3A [1] : vector<512x384xf32> to vector<512xf32>
    %broadcast_in_dim3A = vector.shape_cast %reduce_sum3A_23 : vector<512xf32> to vector<512x1xf32>
    %mul3A_24 = arith.constant 0.00389105058 : f32
    %mul3A_25 = vector.broadcast %mul3A_24 : f32 to vector<512x1xf32>
    %mul3A_26 = arith.mulf %broadcast_in_dim3A, %mul3A_25 : vector<512x1xf32>
    %sub3A = vector.broadcast %mul3A_26 : vector<512x1xf32> to vector<512x384xf32>
    %sub3A_27 = arith.subf %mul3A_9, %sub3A : vector<512x384xf32>
    %mul3A_28 = vector.broadcast %convert_element_type3A_12 : vector<1x384xf32> to vector<512x384xf32>
    %mul3A_29 = arith.mulf %sub3A_27, %mul3A_28 : vector<512x384xf32>
    %mul3A_30 = arith.mulf %mul3A_29, %mul3A_29 : vector<512x384xf32>
    %reduce_sum3A_31 = arith.constant dense<0.000000e+00> : vector<512xf32>
    %reduce_sum3A_32 = vector.multi_reduction <add>, %mul3A_30, %reduce_sum3A_31 [1] : vector<512x384xf32> to vector<512xf32>
    %broadcast_in_dim3A_33 = vector.shape_cast %reduce_sum3A_32 : vector<512xf32> to vector<512x1xf32>
    %mul3A_34 = arith.constant 0.00389105058 : f32
    %mul3A_35 = vector.broadcast %mul3A_34 : f32 to vector<512x1xf32>
    %mul3A_36 = arith.mulf %broadcast_in_dim3A_33, %mul3A_35 : vector<512x1xf32>
    %add3A = arith.constant 9.99999974E-6 : f32
    %add3A_37 = vector.broadcast %add3A : f32 to vector<512x1xf32>
    %add3A_38 = arith.addf %mul3A_36, %add3A_37 : vector<512x1xf32>
    %rsqrt3A = math.rsqrt %add3A_38 : vector<512x1xf32>
    %mul3A_39 = vector.broadcast %rsqrt3A : vector<512x1xf32> to vector<512x384xf32>
    %mul3A_40 = arith.mulf %mul3A_29, %mul3A_39 : vector<512x384xf32>
    %mul3A_41 = vector.broadcast %get3A_17 : vector<1x384xf32> to vector<512x384xf32>
    %mul3A_42 = arith.mulf %mul3A_40, %mul3A_41 : vector<512x384xf32>
    %add3A_43 = vector.broadcast %get3A_22 : vector<1x384xf32> to vector<512x384xf32>
    %add3A_44 = arith.addf %mul3A_42, %add3A_43 : vector<512x384xf32>
    %get3A_45 = arith.constant 0 : index
    %get3A_46 = arith.constant 0 : index
    %get3A_47 = arith.constant 0 : index
    %get3A_48 = vector.load %arg3[%get3A_45, %get3A_46, %get3A_47] : memref<2x384x384xf32, #tpu.memory_space<vmem>>, vector<1x384x384xf32>
    %get3A_49 = vector.shape_cast %get3A_48 : vector<1x384x384xf32> to vector<384x384xf32>
    %dot_general3A = arith.constant dense<0.000000e+00> : vector<512x384xf32>
    %dot_general3A_50 = tpu.matmul %add3A_44, %get3A_49, %dot_general3A {dimension_numbers = #tpu.dot_dimension_numbers<[1], [0], [0], [1], [0, 0, 1, 1], [], []>, transpose_lhs_hint = false} : vector<512x384xf32>, vector<384x384xf32>, vector<512x384xf32> -> vector<512x384xf32>
    %get3A_51 = arith.constant 0 : index
    %get3A_52 = arith.constant 0 : index
    %get3A_53 = arith.constant 0 : index
    %get3A_54 = vector.load %arg4[%get3A_51, %get3A_52, %get3A_53] : memref<2x384x384xf32, #tpu.memory_space<vmem>>, vector<1x384x384xf32>
    %get3A_55 = vector.shape_cast %get3A_54 : vector<1x384x384xf32> to vector<384x384xf32>
    %dot_general3A_56 = arith.constant dense<0.000000e+00> : vector<512x384xf32>
    %dot_general3A_57 = tpu.matmul %add3A_44, %get3A_55, %dot_general3A_56 {dimension_numbers = #tpu.dot_dimension_numbers<[1], [0], [0], [1], [0, 0, 1, 1], [], []>, transpose_lhs_hint = false} : vector<512x384xf32>, vector<384x384xf32>, vector<512x384xf32> -> vector<512x384xf32>
    %get3A_58 = arith.constant 0 : index
    %get3A_59 = arith.constant 0 : index
    %get3A_60 = arith.constant 0 : index
    %get3A_61 = vector.load %arg5[%get3A_58, %get3A_59, %get3A_60] : memref<2x384x384xf32, #tpu.memory_space<vmem>>, vector<1x384x384xf32>
    %get3A_62 = vector.shape_cast %get3A_61 : vector<1x384x384xf32> to vector<384x384xf32>
    %dot_general3A_63 = arith.constant dense<0.000000e+00> : vector<512x384xf32>
    %dot_general3A_64 = tpu.matmul %add3A_44, %get3A_62, %dot_general3A_63 {dimension_numbers = #tpu.dot_dimension_numbers<[1], [0], [0], [1], [0, 0, 1, 1], [], []>, transpose_lhs_hint = false} : vector<512x384xf32>, vector<384x384xf32>, vector<512x384xf32> -> vector<512x384xf32>
    %dot_general3A_65 = arith.constant dense<0.000000e+00> : vector<512x512xf32>
    %dot_general3A_66 = tpu.matmul %dot_general3A_50, %dot_general3A_57, %dot_general3A_65 {dimension_numbers = #tpu.dot_dimension_numbers<[1], [1], [0], [0], [0, 0, 1, 0], [], []>, transpose_lhs_hint = false} : vector<512x384xf32>, vector<512x384xf32>, vector<512x512xf32> -> vector<512x512xf32>
    %mul3A_67 = arith.constant 0.0623782873 : f32
    %mul3A_68 = vector.broadcast %mul3A_67 : f32 to vector<512x512xf32>
    %mul3A_69 = arith.mulf %dot_general3A_66, %mul3A_68 : vector<512x512xf32>
    %gt3A = arith.constant 0.000000e+00 : f32
    %gt3A_70 = vector.broadcast %gt3A : f32 to vector<1x512xf32>
    %gt3A_71 = arith.cmpf ogt, %get3A_8, %gt3A_70 : vector<1x512xf32>
    %jit3A = arith.constant -3.40282347E+38 : f32
    %broadcast_in_dim3A_72 = vector.shape_cast %gt3A_71 : vector<1x512xi1> to vector<1x512xi1>
    %broadcast_in_dim3A_73 = vector.broadcast %broadcast_in_dim3A_72 : vector<1x512xi1> to vector<512x512xi1>
    %broadcast_in_dim3A_74 = vector.broadcast %jit3A : f32 to vector<512x512xf32>
    %select_n3A = arith.select %broadcast_in_dim3A_73, %mul3A_69, %broadcast_in_dim3A_74 : vector<512x512xi1>, vector<512x512xf32>
    %reduce_max3A = arith.constant dense<0xFF800000> : vector<512xf32>
    %reduce_max3A_75 = vector.multi_reduction <maximumf>, %select_n3A, %reduce_max3A [1] : vector<512x512xf32> to vector<512xf32>
    %broadcast_in_dim3A_76 = vector.shape_cast %reduce_max3A_75 : vector<512xf32> to vector<512x1xf32>
    %sub3A_77 = vector.broadcast %broadcast_in_dim3A_76 : vector<512x1xf32> to vector<512x512xf32>
    %sub3A_78 = arith.subf %select_n3A, %sub3A_77 : vector<512x512xf32>
    %exp3A = math.exp %sub3A_78 : vector<512x512xf32>
    %reduce_sum3A_79 = arith.constant dense<0.000000e+00> : vector<512xf32>
    %reduce_sum3A_80 = vector.multi_reduction <add>, %exp3A, %reduce_sum3A_79 [1] : vector<512x512xf32> to vector<512xf32>
    %broadcast_in_dim3A_81 = vector.shape_cast %reduce_sum3A_80 : vector<512xf32> to vector<512x1xf32>
    %div3A = vector.broadcast %broadcast_in_dim3A_81 : vector<512x1xf32> to vector<512x512xf32>
    %div3A_82 = arith.divf %exp3A, %div3A : vector<512x512xf32>
    %dot_general3A_83 = arith.constant dense<0.000000e+00> : vector<512x384xf32>
    %dot_general3A_84 = tpu.matmul %div3A_82, %dot_general3A_64, %dot_general3A_83 {dimension_numbers = #tpu.dot_dimension_numbers<[1], [0], [0], [1], [0, 0, 1, 1], [], []>, transpose_lhs_hint = false} : vector<512x512xf32>, vector<512x384xf32>, vector<512x384xf32> -> vector<512x384xf32>
    %get3A_85 = arith.constant 0 : index
    %get3A_86 = arith.constant 0 : index
    %get3A_87 = arith.constant 0 : index
    %get3A_88 = vector.load %arg6[%get3A_85, %get3A_86, %get3A_87] : memref<2x384x384xf32, #tpu.memory_space<vmem>>, vector<1x384x384xf32>
    %get3A_89 = vector.shape_cast %get3A_88 : vector<1x384x384xf32> to vector<384x384xf32>
    %dot_general3A_90 = arith.constant dense<0.000000e+00> : vector<512x384xf32>
    %dot_general3A_91 = tpu.matmul %dot_general3A_84, %get3A_89, %dot_general3A_90 {dimension_numbers = #tpu.dot_dimension_numbers<[1], [0], [0], [1], [0, 0, 1, 1], [], []>, transpose_lhs_hint = false} : vector<512x384xf32>, vector<384x384xf32>, vector<512x384xf32> -> vector<512x384xf32>
    %add3A_92 = arith.addf %mul3A_9, %dot_general3A_91 : vector<512x384xf32>
    %get3A_93 = arith.constant 0 : index
    %get3A_94 = arith.constant 0 : index
    %get3A_95 = arith.constant 0 : index
    %get3A_96 = vector.load %arg9[%get3A_93, %get3A_94, %get3A_95] : memref<2x1x384xf32, #tpu.memory_space<vmem>>, vector<1x1x384xf32>
    %get3A_97 = vector.shape_cast %get3A_96 : vector<1x1x384xf32> to vector<1x384xf32>
    %get3A_98 = arith.constant 0 : index
    %get3A_99 = arith.constant 0 : index
    %get3A_100 = arith.constant 0 : index
    %get3A_101 = vector.load %arg10[%get3A_98, %get3A_99, %get3A_100] : memref<2x1x384xf32, #tpu.memory_space<vmem>>, vector<1x1x384xf32>
    %get3A_102 = vector.shape_cast %get3A_101 : vector<1x1x384xf32> to vector<1x384xf32>
    %reduce_sum3A_103 = arith.constant dense<0.000000e+00> : vector<512xf32>
    %reduce_sum3A_104 = vector.multi_reduction <add>, %add3A_92, %reduce_sum3A_103 [1] : vector<512x384xf32> to vector<512xf32>
    %broadcast_in_dim3A_105 = vector.shape_cast %reduce_sum3A_104 : vector<512xf32> to vector<512x1xf32>
    %mul3A_106 = arith.constant 0.00389105058 : f32
    %mul3A_107 = vector.broadcast %mul3A_106 : f32 to vector<512x1xf32>
    %mul3A_108 = arith.mulf %broadcast_in_dim3A_105, %mul3A_107 : vector<512x1xf32>
    %sub3A_109 = vector.broadcast %mul3A_108 : vector<512x1xf32> to vector<512x384xf32>
    %sub3A_110 = arith.subf %add3A_92, %sub3A_109 : vector<512x384xf32>
    %mul3A_111 = vector.broadcast %convert_element_type3A_12 : vector<1x384xf32> to vector<512x384xf32>
    %mul3A_112 = arith.mulf %sub3A_110, %mul3A_111 : vector<512x384xf32>
    %mul3A_113 = arith.mulf %mul3A_112, %mul3A_112 : vector<512x384xf32>
    %reduce_sum3A_114 = arith.constant dense<0.000000e+00> : vector<512xf32>
    %reduce_sum3A_115 = vector.multi_reduction <add>, %mul3A_113, %reduce_sum3A_114 [1] : vector<512x384xf32> to vector<512xf32>
    %broadcast_in_dim3A_116 = vector.shape_cast %reduce_sum3A_115 : vector<512xf32> to vector<512x1xf32>
    %mul3A_117 = arith.constant 0.00389105058 : f32
    %mul3A_118 = vector.broadcast %mul3A_117 : f32 to vector<512x1xf32>
    %mul3A_119 = arith.mulf %broadcast_in_dim3A_116, %mul3A_118 : vector<512x1xf32>
    %add3A_120 = arith.constant 9.99999974E-6 : f32
    %add3A_121 = vector.broadcast %add3A_120 : f32 to vector<512x1xf32>
    %add3A_122 = arith.addf %mul3A_119, %add3A_121 : vector<512x1xf32>
    %rsqrt3A_123 = math.rsqrt %add3A_122 : vector<512x1xf32>
    %mul3A_124 = vector.broadcast %rsqrt3A_123 : vector<512x1xf32> to vector<512x384xf32>
    %mul3A_125 = arith.mulf %mul3A_112, %mul3A_124 : vector<512x384xf32>
    %mul3A_126 = vector.broadcast %get3A_97 : vector<1x384xf32> to vector<512x384xf32>
    %mul3A_127 = arith.mulf %mul3A_125, %mul3A_126 : vector<512x384xf32>
    %add3A_128 = vector.broadcast %get3A_102 : vector<1x384xf32> to vector<512x384xf32>
    %add3A_129 = arith.addf %mul3A_127, %add3A_128 : vector<512x384xf32>
    %get3A_130 = arith.constant 0 : index
    %get3A_131 = arith.constant 0 : index
    %get3A_132 = arith.constant 0 : index
    %get3A_133 = vector.load %arg11[%get3A_130, %get3A_131, %get3A_132] : memref<2x384x1152xf32, #tpu.memory_space<vmem>>, vector<1x384x1152xf32>
    %get3A_134 = vector.shape_cast %get3A_133 : vector<1x384x1152xf32> to vector<384x1152xf32>
    %dot_general3A_135 = arith.constant dense<0.000000e+00> : vector<512x1152xf32>
    %dot_general3A_136 = tpu.matmul %add3A_129, %get3A_134, %dot_general3A_135 {dimension_numbers = #tpu.dot_dimension_numbers<[1], [0], [0], [1], [0, 0, 1, 1], [], []>, transpose_lhs_hint = false} : vector<512x384xf32>, vector<384x1152xf32>, vector<512x1152xf32> -> vector<512x1152xf32>
    %get3A_137 = arith.constant 0 : index
    %get3A_138 = arith.constant 0 : index
    %get3A_139 = arith.constant 0 : index
    %get3A_140 = vector.load %arg12[%get3A_137, %get3A_138, %get3A_139] : memref<2x1x1152xf32, #tpu.memory_space<vmem>>, vector<1x1x1152xf32>
    %get3A_141 = vector.shape_cast %get3A_140 : vector<1x1x1152xf32> to vector<1x1152xf32>
    %add3A_142 = vector.broadcast %get3A_141 : vector<1x1152xf32> to vector<512x1152xf32>
    %add3A_143 = arith.addf %dot_general3A_136, %add3A_142 : vector<512x1152xf32>
    %integer_pow3A = arith.mulf %add3A_143, %add3A_143 : vector<512x1152xf32>
    %integer_pow3A_144 = arith.mulf %add3A_143, %integer_pow3A : vector<512x1152xf32>
    %mul3A_145 = arith.constant 4.471500e-02 : f32
    %mul3A_146 = vector.broadcast %mul3A_145 : f32 to vector<512x1152xf32>
    %mul3A_147 = arith.mulf %mul3A_146, %integer_pow3A_144 : vector<512x1152xf32>
    %add3A_148 = arith.addf %add3A_143, %mul3A_147 : vector<512x1152xf32>
    %mul3A_149 = arith.constant 0.797884583 : f32
    %mul3A_150 = vector.broadcast %mul3A_149 : f32 to vector<512x1152xf32>
    %mul3A_151 = arith.mulf %mul3A_150, %add3A_148 : vector<512x1152xf32>
    %tanh3A = math.tanh %mul3A_151 : vector<512x1152xf32>
    %add3A_152 = arith.constant 1.000000e+00 : f32
    %add3A_153 = vector.broadcast %add3A_152 : f32 to vector<512x1152xf32>
    %add3A_154 = arith.addf %add3A_153, %tanh3A : vector<512x1152xf32>
    %mul3A_155 = arith.constant 5.000000e-01 : f32
    %mul3A_156 = vector.broadcast %mul3A_155 : f32 to vector<512x1152xf32>
    %mul3A_157 = arith.mulf %mul3A_156, %add3A_154 : vector<512x1152xf32>
    %mul3A_158 = arith.mulf %add3A_143, %mul3A_157 : vector<512x1152xf32>
    %get3A_159 = arith.constant 0 : index
    %get3A_160 = arith.constant 0 : index
    %get3A_161 = arith.constant 0 : index
    %get3A_162 = vector.load %arg13[%get3A_159, %get3A_160, %get3A_161] : memref<2x1152x384xf32, #tpu.memory_space<vmem>>, vector<1x1152x384xf32>
    %get3A_163 = vector.shape_cast %get3A_162 : vector<1x1152x384xf32> to vector<1152x384xf32>
    %dot_general3A_164 = arith.constant dense<0.000000e+00> : vector<512x384xf32>
    %dot_general3A_165 = tpu.matmul %mul3A_158, %get3A_163, %dot_general3A_164 {dimension_numbers = #tpu.dot_dimension_numbers<[1], [0], [0], [1], [0, 0, 1, 1], [], []>, transpose_lhs_hint = false} : vector<512x1152xf32>, vector<1152x384xf32>, vector<512x384xf32> -> vector<512x384xf32>
    %add3A_166 = arith.addf %add3A_92, %dot_general3A_165 : vector<512x384xf32>
    %get3A_167 = arith.constant 0 : index
    %get3A_168 = arith.constant 0 : index
    %get3A_169 = arith.constant 0 : index
    %get3A_170 = vector.load %arg14[%get3A_167, %get3A_168, %get3A_169] : memref<2x1x384xf32, #tpu.memory_space<vmem>>, vector<1x1x384xf32>
    %get3A_171 = vector.shape_cast %get3A_170 : vector<1x1x384xf32> to vector<1x384xf32>
    %add3A_172 = vector.broadcast %get3A_171 : vector<1x384xf32> to vector<512x384xf32>
    %add3A_173 = arith.addf %add3A_166, %add3A_172 : vector<512x384xf32>
    %get3A_174 = arith.constant 1 : index
    %get3A_175 = arith.constant 0 : index
    %get3A_176 = arith.constant 0 : index
    %get3A_177 = vector.load %arg7[%get3A_174, %get3A_175, %get3A_176] : memref<2x1x384xf32, #tpu.memory_space<vmem>>, vector<1x1x384xf32>
    %get3A_178 = vector.shape_cast %get3A_177 : vector<1x1x384xf32> to vector<1x384xf32>
    %get3A_179 = arith.constant 1 : index
    %get3A_180 = arith.constant 0 : index
    %get3A_181 = arith.constant 0 : index
    %get3A_182 = vector.load %arg8[%get3A_179, %get3A_180, %get3A_181] : memref<2x1x384xf32, #tpu.memory_space<vmem>>, vector<1x1x384xf32>
    %get3A_183 = vector.shape_cast %get3A_182 : vector<1x1x384xf32> to vector<1x384xf32>
    %reduce_sum3A_184 = arith.constant dense<0.000000e+00> : vector<512xf32>
    %reduce_sum3A_185 = vector.multi_reduction <add>, %add3A_173, %reduce_sum3A_184 [1] : vector<512x384xf32> to vector<512xf32>
    %broadcast_in_dim3A_186 = vector.shape_cast %reduce_sum3A_185 : vector<512xf32> to vector<512x1xf32>
    %mul3A_187 = arith.constant 0.00389105058 : f32
    %mul3A_188 = vector.broadcast %mul3A_187 : f32 to vector<512x1xf32>
    %mul3A_189 = arith.mulf %broadcast_in_dim3A_186, %mul3A_188 : vector<512x1xf32>
    %sub3A_190 = vector.broadcast %mul3A_189 : vector<512x1xf32> to vector<512x384xf32>
    %sub3A_191 = arith.subf %add3A_173, %sub3A_190 : vector<512x384xf32>
    %mul3A_192 = vector.broadcast %convert_element_type3A_12 : vector<1x384xf32> to vector<512x384xf32>
    %mul3A_193 = arith.mulf %sub3A_191, %mul3A_192 : vector<512x384xf32>
    %mul3A_194 = arith.mulf %mul3A_193, %mul3A_193 : vector<512x384xf32>
    %reduce_sum3A_195 = arith.constant dense<0.000000e+00> : vector<512xf32>
    %reduce_sum3A_196 = vector.multi_reduction <add>, %mul3A_194, %reduce_sum3A_195 [1] : vector<512x384xf32> to vector<512xf32>
    %broadcast_in_dim3A_197 = vector.shape_cast %reduce_sum3A_196 : vector<512xf32> to vector<512x1xf32>
    %mul3A_198 = arith.constant 0.00389105058 : f32
    %mul3A_199 = vector.broadcast %mul3A_198 : f32 to vector<512x1xf32>
    %mul3A_200 = arith.mulf %broadcast_in_dim3A_197, %mul3A_199 : vector<512x1xf32>
    %add3A_201 = arith.constant 9.99999974E-6 : f32
    %add3A_202 = vector.broadcast %add3A_201 : f32 to vector<512x1xf32>
    %add3A_203 = arith.addf %mul3A_200, %add3A_202 : vector<512x1xf32>
    %rsqrt3A_204 = math.rsqrt %add3A_203 : vector<512x1xf32>
    %mul3A_205 = vector.broadcast %rsqrt3A_204 : vector<512x1xf32> to vector<512x384xf32>
    %mul3A_206 = arith.mulf %mul3A_193, %mul3A_205 : vector<512x384xf32>
    %mul3A_207 = vector.broadcast %get3A_178 : vector<1x384xf32> to vector<512x384xf32>
    %mul3A_208 = arith.mulf %mul3A_206, %mul3A_207 : vector<512x384xf32>
    %add3A_209 = vector.broadcast %get3A_183 : vector<1x384xf32> to vector<512x384xf32>
    %add3A_210 = arith.addf %mul3A_208, %add3A_209 : vector<512x384xf32>
    %get3A_211 = arith.constant 1 : index
    %get3A_212 = arith.constant 0 : index
    %get3A_213 = arith.constant 0 : index
    %get3A_214 = vector.load %arg3[%get3A_211, %get3A_212, %get3A_213] : memref<2x384x384xf32, #tpu.memory_space<vmem>>, vector<1x384x384xf32>
    %get3A_215 = vector.shape_cast %get3A_214 : vector<1x384x384xf32> to vector<384x384xf32>
    %dot_general3A_216 = arith.constant dense<0.000000e+00> : vector<512x384xf32>
    %dot_general3A_217 = tpu.matmul %add3A_210, %get3A_215, %dot_general3A_216 {dimension_numbers = #tpu.dot_dimension_numbers<[1], [0], [0], [1], [0, 0, 1, 1], [], []>, transpose_lhs_hint = false} : vector<512x384xf32>, vector<384x384xf32>, vector<512x384xf32> -> vector<512x384xf32>
    %get3A_218 = arith.constant 1 : index
    %get3A_219 = arith.constant 0 : index
    %get3A_220 = arith.constant 0 : index
    %get3A_221 = vector.load %arg4[%get3A_218, %get3A_219, %get3A_220] : memref<2x384x384xf32, #tpu.memory_space<vmem>>, vector<1x384x384xf32>
    %get3A_222 = vector.shape_cast %get3A_221 : vector<1x384x384xf32> to vector<384x384xf32>
    %dot_general3A_223 = arith.constant dense<0.000000e+00> : vector<512x384xf32>
    %dot_general3A_224 = tpu.matmul %add3A_210, %get3A_222, %dot_general3A_223 {dimension_numbers = #tpu.dot_dimension_numbers<[1], [0], [0], [1], [0, 0, 1, 1], [], []>, transpose_lhs_hint = false} : vector<512x384xf32>, vector<384x384xf32>, vector<512x384xf32> -> vector<512x384xf32>
    %get3A_225 = arith.constant 1 : index
    %get3A_226 = arith.constant 0 : index
    %get3A_227 = arith.constant 0 : index
    %get3A_228 = vector.load %arg5[%get3A_225, %get3A_226, %get3A_227] : memref<2x384x384xf32, #tpu.memory_space<vmem>>, vector<1x384x384xf32>
    %get3A_229 = vector.shape_cast %get3A_228 : vector<1x384x384xf32> to vector<384x384xf32>
    %dot_general3A_230 = arith.constant dense<0.000000e+00> : vector<512x384xf32>
    %dot_general3A_231 = tpu.matmul %add3A_210, %get3A_229, %dot_general3A_230 {dimension_numbers = #tpu.dot_dimension_numbers<[1], [0], [0], [1], [0, 0, 1, 1], [], []>, transpose_lhs_hint = false} : vector<512x384xf32>, vector<384x384xf32>, vector<512x384xf32> -> vector<512x384xf32>
    %dot_general3A_232 = arith.constant dense<0.000000e+00> : vector<512x512xf32>
    %dot_general3A_233 = tpu.matmul %dot_general3A_217, %dot_general3A_224, %dot_general3A_232 {dimension_numbers = #tpu.dot_dimension_numbers<[1], [1], [0], [0], [0, 0, 1, 0], [], []>, transpose_lhs_hint = false} : vector<512x384xf32>, vector<512x384xf32>, vector<512x512xf32> -> vector<512x512xf32>
    %mul3A_234 = arith.constant 0.0623782873 : f32
    %mul3A_235 = vector.broadcast %mul3A_234 : f32 to vector<512x512xf32>
    %mul3A_236 = arith.mulf %dot_general3A_233, %mul3A_235 : vector<512x512xf32>
    %gt3A_237 = arith.constant 0.000000e+00 : f32
    %gt3A_238 = vector.broadcast %gt3A_237 : f32 to vector<1x512xf32>
    %gt3A_239 = arith.cmpf ogt, %get3A_8, %gt3A_238 : vector<1x512xf32>
    %jit3A_240 = arith.constant -3.40282347E+38 : f32
    %broadcast_in_dim3A_241 = vector.shape_cast %gt3A_239 : vector<1x512xi1> to vector<1x512xi1>
    %broadcast_in_dim3A_242 = vector.broadcast %broadcast_in_dim3A_241 : vector<1x512xi1> to vector<512x512xi1>
    %broadcast_in_dim3A_243 = vector.broadcast %jit3A_240 : f32 to vector<512x512xf32>
    %select_n3A_244 = arith.select %broadcast_in_dim3A_242, %mul3A_236, %broadcast_in_dim3A_243 : vector<512x512xi1>, vector<512x512xf32>
    %reduce_max3A_245 = arith.constant dense<0xFF800000> : vector<512xf32>
    %reduce_max3A_246 = vector.multi_reduction <maximumf>, %select_n3A_244, %reduce_max3A_245 [1] : vector<512x512xf32> to vector<512xf32>
    %broadcast_in_dim3A_247 = vector.shape_cast %reduce_max3A_246 : vector<512xf32> to vector<512x1xf32>
    %sub3A_248 = vector.broadcast %broadcast_in_dim3A_247 : vector<512x1xf32> to vector<512x512xf32>
    %sub3A_249 = arith.subf %select_n3A_244, %sub3A_248 : vector<512x512xf32>
    %exp3A_250 = math.exp %sub3A_249 : vector<512x512xf32>
    %reduce_sum3A_251 = arith.constant dense<0.000000e+00> : vector<512xf32>
    %reduce_sum3A_252 = vector.multi_reduction <add>, %exp3A_250, %reduce_sum3A_251 [1] : vector<512x512xf32> to vector<512xf32>
    %broadcast_in_dim3A_253 = vector.shape_cast %reduce_sum3A_252 : vector<512xf32> to vector<512x1xf32>
    %div3A_254 = vector.broadcast %broadcast_in_dim3A_253 : vector<512x1xf32> to vector<512x512xf32>
    %div3A_255 = arith.divf %exp3A_250, %div3A_254 : vector<512x512xf32>
    %dot_general3A_256 = arith.constant dense<0.000000e+00> : vector<512x384xf32>
    %dot_general3A_257 = tpu.matmul %div3A_255, %dot_general3A_231, %dot_general3A_256 {dimension_numbers = #tpu.dot_dimension_numbers<[1], [0], [0], [1], [0, 0, 1, 1], [], []>, transpose_lhs_hint = false} : vector<512x512xf32>, vector<512x384xf32>, vector<512x384xf32> -> vector<512x384xf32>
    %get3A_258 = arith.constant 1 : index
    %get3A_259 = arith.constant 0 : index
    %get3A_260 = arith.constant 0 : index
    %get3A_261 = vector.load %arg6[%get3A_258, %get3A_259, %get3A_260] : memref<2x384x384xf32, #tpu.memory_space<vmem>>, vector<1x384x384xf32>
    %get3A_262 = vector.shape_cast %get3A_261 : vector<1x384x384xf32> to vector<384x384xf32>
    %dot_general3A_263 = arith.constant dense<0.000000e+00> : vector<512x384xf32>
    %dot_general3A_264 = tpu.matmul %dot_general3A_257, %get3A_262, %dot_general3A_263 {dimension_numbers = #tpu.dot_dimension_numbers<[1], [0], [0], [1], [0, 0, 1, 1], [], []>, transpose_lhs_hint = false} : vector<512x384xf32>, vector<384x384xf32>, vector<512x384xf32> -> vector<512x384xf32>
    %add3A_265 = arith.addf %add3A_173, %dot_general3A_264 : vector<512x384xf32>
    %get3A_266 = arith.constant 1 : index
    %get3A_267 = arith.constant 0 : index
    %get3A_268 = arith.constant 0 : index
    %get3A_269 = vector.load %arg9[%get3A_266, %get3A_267, %get3A_268] : memref<2x1x384xf32, #tpu.memory_space<vmem>>, vector<1x1x384xf32>
    %get3A_270 = vector.shape_cast %get3A_269 : vector<1x1x384xf32> to vector<1x384xf32>
    %get3A_271 = arith.constant 1 : index
    %get3A_272 = arith.constant 0 : index
    %get3A_273 = arith.constant 0 : index
    %get3A_274 = vector.load %arg10[%get3A_271, %get3A_272, %get3A_273] : memref<2x1x384xf32, #tpu.memory_space<vmem>>, vector<1x1x384xf32>
    %get3A_275 = vector.shape_cast %get3A_274 : vector<1x1x384xf32> to vector<1x384xf32>
    %reduce_sum3A_276 = arith.constant dense<0.000000e+00> : vector<512xf32>
    %reduce_sum3A_277 = vector.multi_reduction <add>, %add3A_265, %reduce_sum3A_276 [1] : vector<512x384xf32> to vector<512xf32>
    %broadcast_in_dim3A_278 = vector.shape_cast %reduce_sum3A_277 : vector<512xf32> to vector<512x1xf32>
    %mul3A_279 = arith.constant 0.00389105058 : f32
    %mul3A_280 = vector.broadcast %mul3A_279 : f32 to vector<512x1xf32>
    %mul3A_281 = arith.mulf %broadcast_in_dim3A_278, %mul3A_280 : vector<512x1xf32>
    %sub3A_282 = vector.broadcast %mul3A_281 : vector<512x1xf32> to vector<512x384xf32>
    %sub3A_283 = arith.subf %add3A_265, %sub3A_282 : vector<512x384xf32>
    %mul3A_284 = vector.broadcast %convert_element_type3A_12 : vector<1x384xf32> to vector<512x384xf32>
    %mul3A_285 = arith.mulf %sub3A_283, %mul3A_284 : vector<512x384xf32>
    %mul3A_286 = arith.mulf %mul3A_285, %mul3A_285 : vector<512x384xf32>
    %reduce_sum3A_287 = arith.constant dense<0.000000e+00> : vector<512xf32>
    %reduce_sum3A_288 = vector.multi_reduction <add>, %mul3A_286, %reduce_sum3A_287 [1] : vector<512x384xf32> to vector<512xf32>
    %broadcast_in_dim3A_289 = vector.shape_cast %reduce_sum3A_288 : vector<512xf32> to vector<512x1xf32>
    %mul3A_290 = arith.constant 0.00389105058 : f32
    %mul3A_291 = vector.broadcast %mul3A_290 : f32 to vector<512x1xf32>
    %mul3A_292 = arith.mulf %broadcast_in_dim3A_289, %mul3A_291 : vector<512x1xf32>
    %add3A_293 = arith.constant 9.99999974E-6 : f32
    %add3A_294 = vector.broadcast %add3A_293 : f32 to vector<512x1xf32>
    %add3A_295 = arith.addf %mul3A_292, %add3A_294 : vector<512x1xf32>
    %rsqrt3A_296 = math.rsqrt %add3A_295 : vector<512x1xf32>
    %mul3A_297 = vector.broadcast %rsqrt3A_296 : vector<512x1xf32> to vector<512x384xf32>
    %mul3A_298 = arith.mulf %mul3A_285, %mul3A_297 : vector<512x384xf32>
    %mul3A_299 = vector.broadcast %get3A_270 : vector<1x384xf32> to vector<512x384xf32>
    %mul3A_300 = arith.mulf %mul3A_298, %mul3A_299 : vector<512x384xf32>
    %add3A_301 = vector.broadcast %get3A_275 : vector<1x384xf32> to vector<512x384xf32>
    %add3A_302 = arith.addf %mul3A_300, %add3A_301 : vector<512x384xf32>
    %get3A_303 = arith.constant 1 : index
    %get3A_304 = arith.constant 0 : index
    %get3A_305 = arith.constant 0 : index
    %get3A_306 = vector.load %arg11[%get3A_303, %get3A_304, %get3A_305] : memref<2x384x1152xf32, #tpu.memory_space<vmem>>, vector<1x384x1152xf32>
    %get3A_307 = vector.shape_cast %get3A_306 : vector<1x384x1152xf32> to vector<384x1152xf32>
    %dot_general3A_308 = arith.constant dense<0.000000e+00> : vector<512x1152xf32>
    %dot_general3A_309 = tpu.matmul %add3A_302, %get3A_307, %dot_general3A_308 {dimension_numbers = #tpu.dot_dimension_numbers<[1], [0], [0], [1], [0, 0, 1, 1], [], []>, transpose_lhs_hint = false} : vector<512x384xf32>, vector<384x1152xf32>, vector<512x1152xf32> -> vector<512x1152xf32>
    %get3A_310 = arith.constant 1 : index
    %get3A_311 = arith.constant 0 : index
    %get3A_312 = arith.constant 0 : index
    %get3A_313 = vector.load %arg12[%get3A_310, %get3A_311, %get3A_312] : memref<2x1x1152xf32, #tpu.memory_space<vmem>>, vector<1x1x1152xf32>
    %get3A_314 = vector.shape_cast %get3A_313 : vector<1x1x1152xf32> to vector<1x1152xf32>
    %add3A_315 = vector.broadcast %get3A_314 : vector<1x1152xf32> to vector<512x1152xf32>
    %add3A_316 = arith.addf %dot_general3A_309, %add3A_315 : vector<512x1152xf32>
    %integer_pow3A_317 = arith.mulf %add3A_316, %add3A_316 : vector<512x1152xf32>
    %integer_pow3A_318 = arith.mulf %add3A_316, %integer_pow3A_317 : vector<512x1152xf32>
    %mul3A_319 = arith.constant 4.471500e-02 : f32
    %mul3A_320 = vector.broadcast %mul3A_319 : f32 to vector<512x1152xf32>
    %mul3A_321 = arith.mulf %mul3A_320, %integer_pow3A_318 : vector<512x1152xf32>
    %add3A_322 = arith.addf %add3A_316, %mul3A_321 : vector<512x1152xf32>
    %mul3A_323 = arith.constant 0.797884583 : f32
    %mul3A_324 = vector.broadcast %mul3A_323 : f32 to vector<512x1152xf32>
    %mul3A_325 = arith.mulf %mul3A_324, %add3A_322 : vector<512x1152xf32>
    %tanh3A_326 = math.tanh %mul3A_325 : vector<512x1152xf32>
    %add3A_327 = arith.constant 1.000000e+00 : f32
    %add3A_328 = vector.broadcast %add3A_327 : f32 to vector<512x1152xf32>
    %add3A_329 = arith.addf %add3A_328, %tanh3A_326 : vector<512x1152xf32>
    %mul3A_330 = arith.constant 5.000000e-01 : f32
    %mul3A_331 = vector.broadcast %mul3A_330 : f32 to vector<512x1152xf32>
    %mul3A_332 = arith.mulf %mul3A_331, %add3A_329 : vector<512x1152xf32>
    %mul3A_333 = arith.mulf %add3A_316, %mul3A_332 : vector<512x1152xf32>
    %get3A_334 = arith.constant 1 : index
    %get3A_335 = arith.constant 0 : index
    %get3A_336 = arith.constant 0 : index
    %get3A_337 = vector.load %arg13[%get3A_334, %get3A_335, %get3A_336] : memref<2x1152x384xf32, #tpu.memory_space<vmem>>, vector<1x1152x384xf32>
    %get3A_338 = vector.shape_cast %get3A_337 : vector<1x1152x384xf32> to vector<1152x384xf32>
    %dot_general3A_339 = arith.constant dense<0.000000e+00> : vector<512x384xf32>
    %dot_general3A_340 = tpu.matmul %mul3A_333, %get3A_338, %dot_general3A_339 {dimension_numbers = #tpu.dot_dimension_numbers<[1], [0], [0], [1], [0, 0, 1, 1], [], []>, transpose_lhs_hint = false} : vector<512x1152xf32>, vector<1152x384xf32>, vector<512x384xf32> -> vector<512x384xf32>
    %add3A_341 = arith.addf %add3A_265, %dot_general3A_340 : vector<512x384xf32>
    %get3A_342 = arith.constant 1 : index
    %get3A_343 = arith.constant 0 : index
    %get3A_344 = arith.constant 0 : index
    %get3A_345 = vector.load %arg14[%get3A_342, %get3A_343, %get3A_344] : memref<2x1x384xf32, #tpu.memory_space<vmem>>, vector<1x1x384xf32>
    %get3A_346 = vector.shape_cast %get3A_345 : vector<1x1x384xf32> to vector<1x384xf32>
    %add3A_347 = vector.broadcast %get3A_346 : vector<1x384xf32> to vector<512x384xf32>
    %add3A_348 = arith.addf %add3A_341, %add3A_347 : vector<512x384xf32>
    %slice3A = vector.extract_strided_slice %add3A_348 {offsets = [511, 0], sizes = [1, 384], strides = [1, 1]} : vector<512x384xf32> to vector<1x384xf32>
    %swap3A = arith.constant 0 : index
    %swap3A_349 = arith.constant 0 : index
    %swap3A_350 = arith.constant 0 : index
    %swap3A_351 = vector.load %arg15[%swap3A, %swap3A_349, %swap3A_350] : memref<1x1x384xf32, #tpu.memory_space<vmem>>, vector<1x1x384xf32>
    %swap3A_352 = vector.shape_cast %swap3A_351 : vector<1x1x384xf32> to vector<1x384xf32>
    %swap3A_353 = vector.shape_cast %slice3A : vector<1x384xf32> to vector<1x1x384xf32>
    tpu.vector_store %arg15[%swap3A, %swap3A_349, %swap3A_350], %swap3A_353 {strides = array<i32>} : memref<1x1x384xf32, #tpu.memory_space<vmem>>, vector<1x1x384xf32>,
    return
  }
  func.func @transform_0(%arg0: i32) -> (i32, i32, i32) {
    %c0_i32 = arith.constant 0 : i32
    %c0_i32_0 = arith.constant 0 : i32
    %c0_i32_1 = arith.constant 0 : i32
    return %arg0, %c0_i32, %c0_i32_0 : i32, i32, i32
  }
  func.func @transform_1(%arg0: i32) -> (i32, i32, i32) {
    %c0_i32 = arith.constant 0 : i32
    %c0_i32_0 = arith.constant 0 : i32
    %c0_i32_1 = arith.constant 0 : i32
    return %arg0, %c0_i32, %c0_i32_0 : i32, i32, i32
  }
  func.func @transform_2(%arg0: i32) -> (i32, i32, i32) {
    %c0_i32 = arith.constant 0 : i32
    %c0_i32_0 = arith.constant 0 : i32
    %c0_i32_1 = arith.constant 0 : i32
    %c0_i32_2 = arith.constant 0 : i32
    return %c0_i32, %c0_i32_0, %c0_i32_1 : i32, i32, i32
  }
  func.func @transform_3(%arg0: i32) -> (i32, i32, i32) {
    %c0_i32 = arith.constant 0 : i32
    %c0_i32_0 = arith.constant 0 : i32
    %c0_i32_1 = arith.constant 0 : i32
    %c0_i32_2 = arith.constant 0 : i32
    return %c0_i32, %c0_i32_0, %c0_i32_1 : i32, i32, i32
  }
  func.func @transform_4(%arg0: i32) -> (i32, i32, i32) {
    %c0_i32 = arith.constant 0 : i32
    %c0_i32_0 = arith.constant 0 : i32
    %c0_i32_1 = arith.constant 0 : i32
    %c0_i32_2 = arith.constant 0 : i32
    return %c0_i32, %c0_i32_0, %c0_i32_1 : i32, i32, i32
  }
  func.func @transform_5(%arg0: i32) -> (i32, i32, i32) {
    %c0_i32 = arith.constant 0 : i32
    %c0_i32_0 = arith.constant 0 : i32
    %c0_i32_1 = arith.constant 0 : i32
    %c0_i32_2 = arith.constant 0 : i32
    return %c0_i32, %c0_i32_0, %c0_i32_1 : i32, i32, i32
  }
  func.func @transform_6(%arg0: i32) -> (i32, i32, i32) {
    %c0_i32 = arith.constant 0 : i32
    %c0_i32_0 = arith.constant 0 : i32
    %c0_i32_1 = arith.constant 0 : i32
    %c0_i32_2 = arith.constant 0 : i32
    return %c0_i32, %c0_i32_0, %c0_i32_1 : i32, i32, i32
  }
  func.func @transform_7(%arg0: i32) -> (i32, i32, i32) {
    %c0_i32 = arith.constant 0 : i32
    %c0_i32_0 = arith.constant 0 : i32
    %c0_i32_1 = arith.constant 0 : i32
    %c0_i32_2 = arith.constant 0 : i32
    return %c0_i32, %c0_i32_0, %c0_i32_1 : i32, i32, i32
  }
  func.func @transform_8(%arg0: i32) -> (i32, i32, i32) {
    %c0_i32 = arith.constant 0 : i32
    %c0_i32_0 = arith.constant 0 : i32
    %c0_i32_1 = arith.constant 0 : i32
    %c0_i32_2 = arith.constant 0 : i32
    return %c0_i32, %c0_i32_0, %c0_i32_1 : i32, i32, i32
  }
  func.func @transform_9(%arg0: i32) -> (i32, i32, i32) {
    %c0_i32 = arith.constant 0 : i32
    %c0_i32_0 = arith.constant 0 : i32
    %c0_i32_1 = arith.constant 0 : i32
    %c0_i32_2 = arith.constant 0 : i32
    return %c0_i32, %c0_i32_0, %c0_i32_1 : i32, i32, i32
  }
  func.func @transform_10(%arg0: i32) -> (i32, i32, i32) {
    %c0_i32 = arith.constant 0 : i32
    %c0_i32_0 = arith.constant 0 : i32
    %c0_i32_1 = arith.constant 0 : i32
    %c0_i32_2 = arith.constant 0 : i32
    return %c0_i32, %c0_i32_0, %c0_i32_1 : i32, i32, i32
  }
  func.func @transform_11(%arg0: i32) -> (i32, i32, i32) {
    %c0_i32 = arith.constant 0 : i32
    %c0_i32_0 = arith.constant 0 : i32
    %c0_i32_1 = arith.constant 0 : i32
    %c0_i32_2 = arith.constant 0 : i32
    return %c0_i32, %c0_i32_0, %c0_i32_1 : i32, i32, i32
  }
  func.func @transform_12(%arg0: i32) -> (i32, i32, i32) {
    %c0_i32 = arith.constant 0 : i32
    %c0_i32_0 = arith.constant 0 : i32
    %c0_i32_1 = arith.constant 0 : i32
    %c0_i32_2 = arith.constant 0 : i32
    return %c0_i32, %c0_i32_0, %c0_i32_1 : i32, i32, i32
  }
  func.func @transform_13(%arg0: i32) -> (i32, i32, i32) {
    %c0_i32 = arith.constant 0 : i32
    %c0_i32_0 = arith.constant 0 : i32
    %c0_i32_1 = arith.constant 0 : i32
    %c0_i32_2 = arith.constant 0 : i32
    return %c0_i32, %c0_i32_0, %c0_i32_1 : i32, i32, i32
  }
  func.func @transform_14(%arg0: i32) -> (i32, i32, i32) {
    %c0_i32 = arith.constant 0 : i32
    %c0_i32_0 = arith.constant 0 : i32
    %c0_i32_1 = arith.constant 0 : i32
    return %arg0, %c0_i32, %c0_i32_0 : i32, i32, i32
  }
}

module attributes {stable_mosaic.version = 14 : i64} {
  func.func @_heads_body(%arg0: memref<16x640xf32, #tpu.memory_space<vmem>>, %arg1: memref<640x384xf32, #tpu.memory_space<vmem>>, %arg2: memref<1x384xf32, #tpu.memory_space<vmem>>, %arg3: memref<384x128xf32, #tpu.memory_space<vmem>>, %arg4: memref<1x128xf32, #tpu.memory_space<vmem>>, %arg5: memref<16x128xf32, #tpu.memory_space<vmem>>) attributes {dimension_semantics = [], scalar_prefetch = 0 : i64, scratch_operands = 0 : i64, tpu.core_type = #tpu.core_type<tc>} {
    %get3A = arith.constant 0 : index
    %get3A_0 = arith.constant 0 : index
    %get3A_1 = vector.load %arg0[%get3A, %get3A_0] : memref<16x640xf32, #tpu.memory_space<vmem>>, vector<16x640xf32>
    %get3A_2 = arith.constant 0 : index
    %get3A_3 = arith.constant 0 : index
    %get3A_4 = vector.load %arg1[%get3A_2, %get3A_3] : memref<640x384xf32, #tpu.memory_space<vmem>>, vector<640x384xf32>
    %dot_general3A = arith.constant dense<0.000000e+00> : vector<16x384xf32>
    %dot_general3A_5 = tpu.matmul %get3A_1, %get3A_4, %dot_general3A {dimension_numbers = #tpu.dot_dimension_numbers<[1], [0], [0], [1], [0, 0, 1, 1], [], []>, transpose_lhs_hint = false} : vector<16x640xf32>, vector<640x384xf32>, vector<16x384xf32> -> vector<16x384xf32>
    %get3A_6 = arith.constant 0 : index
    %get3A_7 = arith.constant 0 : index
    %get3A_8 = vector.load %arg2[%get3A_6, %get3A_7] : memref<1x384xf32, #tpu.memory_space<vmem>>, vector<1x384xf32>
    %add3A = vector.broadcast %get3A_8 : vector<1x384xf32> to vector<16x384xf32>
    %add3A_9 = arith.addf %dot_general3A_5, %add3A : vector<16x384xf32>
    %max3A = arith.constant 0.000000e+00 : f32
    %max3A_10 = vector.broadcast %max3A : f32 to vector<16x384xf32>
    %max3A_11 = arith.maximumf %add3A_9, %max3A_10 : vector<16x384xf32>
    %get3A_12 = arith.constant 0 : index
    %get3A_13 = arith.constant 0 : index
    %get3A_14 = vector.load %arg3[%get3A_12, %get3A_13] : memref<384x128xf32, #tpu.memory_space<vmem>>, vector<384x128xf32>
    %dot_general3A_15 = arith.constant dense<0.000000e+00> : vector<16x128xf32>
    %dot_general3A_16 = tpu.matmul %max3A_11, %get3A_14, %dot_general3A_15 {dimension_numbers = #tpu.dot_dimension_numbers<[1], [0], [0], [1], [0, 0, 1, 1], [], []>, transpose_lhs_hint = false} : vector<16x384xf32>, vector<384x128xf32>, vector<16x128xf32> -> vector<16x128xf32>
    %get3A_17 = arith.constant 0 : index
    %get3A_18 = arith.constant 0 : index
    %get3A_19 = vector.load %arg4[%get3A_17, %get3A_18] : memref<1x128xf32, #tpu.memory_space<vmem>>, vector<1x128xf32>
    %add3A_20 = vector.broadcast %get3A_19 : vector<1x128xf32> to vector<16x128xf32>
    %add3A_21 = arith.addf %dot_general3A_16, %add3A_20 : vector<16x128xf32>
    %slice3A = vector.extract_strided_slice %add3A_21 {offsets = [0, 50], sizes = [16, 3], strides = [1, 1]} : vector<16x128xf32> to vector<16x3xf32>
    %reduce_max3A = arith.constant dense<0xFF800000> : vector<16xf32>
    %reduce_max3A_22 = vector.multi_reduction <maximumf>, %slice3A, %reduce_max3A [1] : vector<16x3xf32> to vector<16xf32>
    %broadcast_in_dim3A = vector.shape_cast %reduce_max3A_22 : vector<16xf32> to vector<16x1xf32>
    %sub3A = vector.broadcast %broadcast_in_dim3A : vector<16x1xf32> to vector<16x3xf32>
    %sub3A_23 = arith.subf %slice3A, %sub3A : vector<16x3xf32>
    %exp3A = math.exp %sub3A_23 : vector<16x3xf32>
    %reduce_sum3A = arith.constant dense<0.000000e+00> : vector<16xf32>
    %reduce_sum3A_24 = vector.multi_reduction <add>, %exp3A, %reduce_sum3A [1] : vector<16x3xf32> to vector<16xf32>
    %broadcast_in_dim3A_25 = vector.shape_cast %reduce_sum3A_24 : vector<16xf32> to vector<16x1xf32>
    %log3A = math.log %broadcast_in_dim3A_25 : vector<16x1xf32>
    %add3A_26 = arith.addf %log3A, %broadcast_in_dim3A : vector<16x1xf32>
    %sub3A_27 = vector.broadcast %add3A_26 : vector<16x1xf32> to vector<16x3xf32>
    %sub3A_28 = arith.subf %slice3A, %sub3A_27 : vector<16x3xf32>
    %slice3A_29 = vector.extract_strided_slice %add3A_21 {offsets = [0, 0], sizes = [16, 15], strides = [1, 1]} : vector<16x128xf32> to vector<16x15xf32>
    %reduce_max3A_30 = arith.constant dense<0xFF800000> : vector<16xf32>
    %reduce_max3A_31 = vector.multi_reduction <maximumf>, %slice3A_29, %reduce_max3A_30 [1] : vector<16x15xf32> to vector<16xf32>
    %broadcast_in_dim3A_32 = vector.shape_cast %reduce_max3A_31 : vector<16xf32> to vector<16x1xf32>
    %sub3A_33 = vector.broadcast %broadcast_in_dim3A_32 : vector<16x1xf32> to vector<16x15xf32>
    %sub3A_34 = arith.subf %slice3A_29, %sub3A_33 : vector<16x15xf32>
    %exp3A_35 = math.exp %sub3A_34 : vector<16x15xf32>
    %reduce_sum3A_36 = arith.constant dense<0.000000e+00> : vector<16xf32>
    %reduce_sum3A_37 = vector.multi_reduction <add>, %exp3A_35, %reduce_sum3A_36 [1] : vector<16x15xf32> to vector<16xf32>
    %broadcast_in_dim3A_38 = vector.shape_cast %reduce_sum3A_37 : vector<16xf32> to vector<16x1xf32>
    %log3A_39 = math.log %broadcast_in_dim3A_38 : vector<16x1xf32>
    %add3A_40 = arith.addf %log3A_39, %broadcast_in_dim3A_32 : vector<16x1xf32>
    %sub3A_41 = vector.broadcast %add3A_40 : vector<16x1xf32> to vector<16x15xf32>
    %sub3A_42 = arith.subf %slice3A_29, %sub3A_41 : vector<16x15xf32>
    %slice3A_43 = vector.extract_strided_slice %sub3A_28 {offsets = [0, 0], sizes = [16, 1], strides = [1, 1]} : vector<16x3xf32> to vector<16x1xf32>
    %add3A_44 = vector.broadcast %slice3A_43 : vector<16x1xf32> to vector<16x15xf32>
    %add3A_45 = arith.addf %sub3A_42, %add3A_44 : vector<16x15xf32>
    %slice3A_46 = vector.extract_strided_slice %add3A_21 {offsets = [0, 15], sizes = [16, 11], strides = [1, 1]} : vector<16x128xf32> to vector<16x11xf32>
    %reduce_max3A_47 = arith.constant dense<0xFF800000> : vector<16xf32>
    %reduce_max3A_48 = vector.multi_reduction <maximumf>, %slice3A_46, %reduce_max3A_47 [1] : vector<16x11xf32> to vector<16xf32>
    %broadcast_in_dim3A_49 = vector.shape_cast %reduce_max3A_48 : vector<16xf32> to vector<16x1xf32>
    %sub3A_50 = vector.broadcast %broadcast_in_dim3A_49 : vector<16x1xf32> to vector<16x11xf32>
    %sub3A_51 = arith.subf %slice3A_46, %sub3A_50 : vector<16x11xf32>
    %exp3A_52 = math.exp %sub3A_51 : vector<16x11xf32>
    %reduce_sum3A_53 = arith.constant dense<0.000000e+00> : vector<16xf32>
    %reduce_sum3A_54 = vector.multi_reduction <add>, %exp3A_52, %reduce_sum3A_53 [1] : vector<16x11xf32> to vector<16xf32>
    %broadcast_in_dim3A_55 = vector.shape_cast %reduce_sum3A_54 : vector<16xf32> to vector<16x1xf32>
    %log3A_56 = math.log %broadcast_in_dim3A_55 : vector<16x1xf32>
    %add3A_57 = arith.addf %log3A_56, %broadcast_in_dim3A_49 : vector<16x1xf32>
    %sub3A_58 = vector.broadcast %add3A_57 : vector<16x1xf32> to vector<16x11xf32>
    %sub3A_59 = arith.subf %slice3A_46, %sub3A_58 : vector<16x11xf32>
    %slice3A_60 = vector.extract_strided_slice %sub3A_28 {offsets = [0, 1], sizes = [16, 1], strides = [1, 1]} : vector<16x3xf32> to vector<16x1xf32>
    %add3A_61 = vector.broadcast %slice3A_60 : vector<16x1xf32> to vector<16x11xf32>
    %add3A_62 = arith.addf %sub3A_59, %add3A_61 : vector<16x11xf32>
    %slice3A_63 = vector.extract_strided_slice %add3A_21 {offsets = [0, 26], sizes = [16, 24], strides = [1, 1]} : vector<16x128xf32> to vector<16x24xf32>
    %reduce_max3A_64 = arith.constant dense<0xFF800000> : vector<16xf32>
    %reduce_max3A_65 = vector.multi_reduction <maximumf>, %slice3A_63, %reduce_max3A_64 [1] : vector<16x24xf32> to vector<16xf32>
    %broadcast_in_dim3A_66 = vector.shape_cast %reduce_max3A_65 : vector<16xf32> to vector<16x1xf32>
    %sub3A_67 = vector.broadcast %broadcast_in_dim3A_66 : vector<16x1xf32> to vector<16x24xf32>
    %sub3A_68 = arith.subf %slice3A_63, %sub3A_67 : vector<16x24xf32>
    %exp3A_69 = math.exp %sub3A_68 : vector<16x24xf32>
    %reduce_sum3A_70 = arith.constant dense<0.000000e+00> : vector<16xf32>
    %reduce_sum3A_71 = vector.multi_reduction <add>, %exp3A_69, %reduce_sum3A_70 [1] : vector<16x24xf32> to vector<16xf32>
    %broadcast_in_dim3A_72 = vector.shape_cast %reduce_sum3A_71 : vector<16xf32> to vector<16x1xf32>
    %log3A_73 = math.log %broadcast_in_dim3A_72 : vector<16x1xf32>
    %add3A_74 = arith.addf %log3A_73, %broadcast_in_dim3A_66 : vector<16x1xf32>
    %sub3A_75 = vector.broadcast %add3A_74 : vector<16x1xf32> to vector<16x24xf32>
    %sub3A_76 = arith.subf %slice3A_63, %sub3A_75 : vector<16x24xf32>
    %slice3A_77 = vector.extract_strided_slice %sub3A_28 {offsets = [0, 2], sizes = [16, 1], strides = [1, 1]} : vector<16x3xf32> to vector<16x1xf32>
    %add3A_78 = vector.broadcast %slice3A_77 : vector<16x1xf32> to vector<16x24xf32>
    %add3A_79 = arith.addf %sub3A_76, %add3A_78 : vector<16x24xf32>
    %slice3A_80 = vector.extract_strided_slice %add3A_21 {offsets = [0, 53], sizes = [16, 1], strides = [1, 1]} : vector<16x128xf32> to vector<16x1xf32>
    %broadcast_in_dim3A_81 = arith.constant 0.000000e+00 : f32
    %broadcast_in_dim3A_82 = vector.broadcast %broadcast_in_dim3A_81 : f32 to vector<16x74xf32>
    %concatenate3A = tpu.concatenate %add3A_45, %add3A_62, %add3A_79, %sub3A_28, %slice3A_80, %broadcast_in_dim3A_82 in 1 : vector<16x15xf32>, vector<16x11xf32>, vector<16x24xf32>, vector<16x3xf32>, vector<16x1xf32>, vector<16x74xf32> -> vector<16x128xf32>
    %swap3A = arith.constant 0 : index
    %swap3A_83 = arith.constant 0 : index
    %swap3A_84 = vector.load %arg5[%swap3A, %swap3A_83] : memref<16x128xf32, #tpu.memory_space<vmem>>, vector<16x128xf32>
    tpu.vector_store %arg5[%swap3A, %swap3A_83], %concatenate3A {strides = array<i32>} : memref<16x128xf32, #tpu.memory_space<vmem>>, vector<16x128xf32>,
    return
  }
}

</mosaic_0001>

<sc_bundles>
// kernel: gather_offload_async_start
scs
__scs_entry_jumppad:
0x0: {  	(pc) =	sbr.rel $0x88, $3  }
0x1: {  	(tag) =	ssettag $0x0;
	lr =	simm.s32 $0x1  }
0x2: {  	[smem:$0x3F76] =	sst lr;
	_ =	strace $0xD0000000  }
0x3: {  	_ = 	snop  }
0x4: {  	_ = 	snop  }
0x5: {  	_ = 	snop  }
0x6: {  	_ = 	snop  }
0x7: {  	_ = 	snop  }
__scs_overlays_trampoline_lowered:
0x8: {  	[smem:$0x3F85] =	sst s0  }
0x9: {  	[smem:$0x3F86] =	sst s1  }
0xa: {  	[smem:$0x3F87] =	sst s2  }
0xb: {  	[smem:$0x3F88] =	sst s3  }
0xc: {  	[smem:$0x3F89] =	sst s4  }
0xd: {  	[smem:$0x3F8A] =	sst s5  }
0xe: {  	[smem:$0x3F8B] =	sst s6  }
0xf: {  	[smem:$0x3F8C] =	sst s7  }
0x10: {  	[smem:$0x3F8D] =	sst s8  }
0x11: {  	[smem:$0x3F8E] =	sst s9;
	s0 =	simm.s32 @!p0 $0x0  }
0x12: {  	s1 =	sld [smem:$0x3F74];
	s0 =	simm.s32 @p0 $0x1  }
0x13: {  	[smem:$0x3F8F] =	sst s0;
	s0 =	simm.s32 @!p1 $0x0  }
0x14: {  	s2 =	sld [smem:$0x3F73];
	s0 =	simm.s32 @p1 $0x1  }
0x15: {  	[smem:$0x3F90] =	sst s0;
	s0 =	simm.s32 @!p2 $0x0  }
0x16: {  	s3 =	sld [smem:$0x3FDB];
	s0 =	simm.s32 @p2 $0x1  }
0x17: {  	s4 =	simm.s32 $0x1BF5;
	[smem:$0x3F92] =	sst s0  }
0x18: {  	s0 =	sld [smem:$0x3F75];
	_ =	swait.ge [sflag:s4], $0x0  }
0x19: {  	s7 =	sld [smem:$0x3F76]  }
0x1a: {  	s8 =	sadd.s32 $0xFFFFE003, lr  }
0x1b: {  	s9 =	sadd.s32 $0xFFFFFEF7, lr;
	s5 =	simm.s32 $0xFFFFFFFF;
	p2 =	slt.u32 s8, $0xFFFFF086  }
0x1c: {  	p1 =	slt.u32 s9, $0xF7A;
	s5 =	simm.s32 @!p2 $0x0  }
0x1d: {  	s5 =	simm.s32 @p1 $0x1;
	p0 =	seq.s32 s7, s2  }
0x1e: {  	s7 =	smul.u32 @!p0 $0xF7A, s2;
	p2 =	seq.s32 @!p0 s5, $0x0  }
0x1f: {  	s9 =	smul.u32 $0xF7A, s1;
	s8 =	simm.s32 @!p0 $0x1BF5;
	p2 =	por !p2, p0  }
0x20: {  	[sflag:s8] =	ssyncset.s32 @!p0 $0xFFFFF086;
	s6 =	sadd.s32 @!p0 s3, s7;
	s7 =	simm.s32 @!p0 $0x108  }
0x21: {  	s3 =	sadd.s32 s3, s9;
	s6 =	sadd.s32 @!p0 $0x88, s6;
	s7 =	simm.s32 @p2 $0x1082  }
0x22: {  	[simem:s7], [sflag:s8] =	dma.local @!p0 [hbm:s6], $0xF7A  }
0x23: {  	s9 =	sor.u32 $0xD0000000, s2;
	s6 =	simm.s32 $0x108;
	_ =	swait.ge @!p0 [sflag:s8], $0x0  }
0x24: {  	s3 =	sadd.s32 $0x88, s3;
	s6 =	simm.s32 @!p1 $0x1082;
	[sflag:s4] =	ssyncset.s32 $0xFFFFF086  }
0x25: {  	[simem:s6], [sflag:s4] =	dma.local [hbm:s3], $0xF7A  }
0x26: {  	[smem:$0x3F76] =	sst s1;
	(tag) =	ssettag s2;
	_ =	strace s9  }
0x27: {  	s1 =	sld [smem:$0x3F86]  }
0x28: {  	s2 =	sld [smem:$0x3F87]  }
0x29: {  	s4 =	sld [smem:$0x3F89]  }
0x2a: {  	p0 =	seq.s32 s5, $0x0;
	s5 =	sld [smem:$0x3F8A]  }
0x2b: {  	s6 =	sld [smem:$0x3F8B]  }
0x2c: {  	s7 =	sld [smem:$0x3F8C]  }
0x2d: {  	s3 =	simm.s32 $0x108;
	s8 =	sld [smem:$0x3F8D]  }
0x2e: {  	s3 =	simm.s32 @!p0 $0x1082;
	s9 =	sld [smem:$0x3F8E]  }
0x2f: {  	lr =	sadd.s32 s0, s3;
	s0 =	sld [smem:$0x3F85]  }
0x30: {  	s3 =	sld [smem:$0x3F88]  }
0x31: {  	[smem:$0x3F91] =	sst s10  }
0x32: {  	s10 =	sld [smem:$0x3F8F];
	_ =	sdelay $0x3  }
0x33: {  	p0 =	seq.s32 s10, $0x1;
	s10 =	sld [smem:$0x3F91];
	_ =	sdelay $0x3  }
0x34: {  	[smem:$0x3F91] =	sst s10  }
0x35: {  	s10 =	sld [smem:$0x3F90];
	_ =	sdelay $0x3  }
0x36: {  	p1 =	seq.s32 s10, $0x1;
	s10 =	sld [smem:$0x3F91];
	_ =	sdelay $0x3  }
0x37: {  	[smem:$0x3F91] =	sst s10  }
0x38: {  	s10 =	sld [smem:$0x3F92]  }
0x39: {  	_ = 	snop;
	(pc) =	sbr.ind lr, $3  }
0x3a: {  	_ = 	snop  }
0x3b: {  	_ = 	snop  }
0x3c: {  	p2 =	seq.s32 s10, $0x1;
	s10 =	sld [smem:$0x3F91]  }
0x3d: {  	_ =	shalt  }
0x3e: {  	_ =	shalt  }
0x3f: {  	_ =	shalt  }
0x40: {  	_ =	shalt  }
0x41: {  	_ =	shalt  }
0x42: {  	_ =	shalt  }
0x43: {  	_ =	shalt  }
0x44: {  	_ =	shalt  }
0x45: {  	_ =	shalt  }
0x46: {  	_ =	shalt  }
0x47: {  	_ =	shalt  }
0x48: {  	_ =	shalt  }
0x49: {  	_ =	shalt  }
0x4a: {  	_ =	shalt  }
0x4b: {  	_ =	shalt  }
0x4c: {  	_ =	shalt  }
0x4d: {  	_ =	shalt  }
0x4e: {  	_ =	shalt  }
0x4f: {  	_ =	shalt  }
0x50: {  	_ =	shalt  }
0x51: {  	_ =	shalt  }
0x52: {  	_ =	shalt  }
0x53: {  	_ =	shalt  }
0x54: {  	_ =	shalt  }
0x55: {  	_ =	shalt  }
0x56: {  	_ =	shalt  }
0x57: {  	_ =	shalt  }
0x58: {  	_ =	shalt  }
0x59: {  	_ =	shalt  }
0x5a: {  	_ =	shalt  }
0x5b: {  	_ =	shalt  }
0x5c: {  	_ =	shalt  }
0x5d: {  	_ =	shalt  }
0x5e: {  	_ =	shalt  }
0x5f: {  	_ =	shalt  }
0x60: {  	_ =	shalt  }
0x61: {  	_ =	shalt  }
0x62: {  	_ =	shalt  }
0x63: {  	_ =	shalt  }
0x64: {  	_ =	shalt  }
0x65: {  	_ =	shalt  }
0x66: {  	_ =	shalt  }
0x67: {  	_ =	shalt  }
0x68: {  	_ =	shalt  }
0x69: {  	_ =	shalt  }
0x6a: {  	_ =	shalt  }
0x6b: {  	_ =	shalt  }
0x6c: {  	_ =	shalt  }
0x6d: {  	_ =	shalt  }
0x6e: {  	_ =	shalt  }
0x6f: {  	_ =	shalt  }
0x70: {  	_ =	shalt  }
0x71: {  	_ =	shalt  }
0x72: {  	_ =	shalt  }
0x73: {  	_ =	shalt  }
0x74: {  	_ =	shalt  }
0x75: {  	_ =	shalt  }
0x76: {  	_ =	shalt  }
0x77: {  	_ =	shalt  }
0x78: {  	_ =	shalt  }
0x79: {  	_ =	shalt  }
0x7a: {  	_ =	shalt  }
0x7b: {  	_ =	shalt  }
0x7c: {  	_ =	shalt  }
0x7d: {  	_ =	shalt  }
0x7e: {  	_ =	shalt  }
0x7f: {  	_ =	shalt  }
0x80: {  	_ =	shalt  }
0x81: {  	_ =	shalt  }
0x82: {  	_ =	shalt  }
0x83: {  	_ =	shalt  }
0x84: {  	_ =	shalt  }
0x85: {  	_ =	shalt  }
0x86: {  	_ =	shalt  }
0x87: {  	_ =	shalt  }
.Lfunc_end0:
.L_simem_size_0:
called_computation_lowered:
.L_overlay_start_0:
0x88: {  	s2 =	sld [smem:$0x3FD9]  }
0x89: {  	s3 =	sld [smem:$0x3FFE];
	_ =	sdelay $0x1  }
0x8a: {  	s1 =	srdreg.scid  }
0x8b: {  	s0 =	sand.u32 $0x1, s1  }
0x8c: {  	s16 =	sshll.u32 s0, $0xA;
	s2 =	sadd.s32 s3, s2  }
0x8d: {  	s2 =	sadd.s32 s2, s16  }
0x8e: {  	[smem:$0x3F9D] =	sst s2  }
0x8f: {  	_ = 	snop  }
0x90: {  	(tm) =	ssettm $0x1  }
0x91: {  	s17 =	sld [smem:$0x3FFB];
	_ =	sdelay $0x3  }
0x92: {  	_ =	strace s17  }
0x93: {  	s2 =	sld [smem:$0x3FFC];
	_ =	sdelay $0x3  }
0x94: {  	_ =	strace s2  }
0x95: {  	s2 =	sld [smem:$0x3FFD];
	_ =	sdelay $0x3  }
0x96: {  	_ =	strace s2  }
0x97: {  	_ =	strace $0x8FFFFFFF  }
0x98: {  	s18 =	sld [smem:$0x3FDB];
	_ =	sdelay $0x1  }
0x99: {  	s19 =	simm.s32 $_scs_section_size  }
0x9a: {  	s4 =	simm.s32 $_size__tile_overlayer_lowered;
	s5 =	simm.s32 $_tile_overlayer_lowered  }
0x9b: {  	s22 =	simm.s32 $0x1BFF;
	s21 =	sshll.u32 s5, $0x1;
	s2 =	sadd.s32 s19, s18  }
0x9c: {  	s6 =	simm.s32 $0x0;
	s20 =	sshll.u32 s4, $0x1;
	s4 =	sadd.s32 s21, s2  }
0x9d: {  	[timem:s6], [sflag:s22] =	dma.local [hbm:s4], s20  }
0x9e: {  	_ =	swait.ge [sflag:s22], s20  }
0x9f: {  	s3 =	ssub.s32 $0x0, s20;
	[sflag:s22] =	ssyncset.done $0x0  }
0xa0: {  	[sflag:s22] =	ssyncadd.s32 s3;
	_ =	sdelay $0x1  }
0xa1: {  	s23 =	simm.s32 $0x1B8B  }
0xa2: {  	_ =	swait.ge [sflag:s23], $0x1  }
0xa3: {  	[sflag:s23] =	ssyncset.done $0x0  }
0xa4: {  	s25 =	simm.s32 $0x1B8E;
	s24 =	sld [smem:$0x3FFE];
	[sflag:s23] =	ssyncadd.s32 $0xFFFFFFFF  }
0xa5: {  	s26 =	simm.s32 $execute0_lowered;
	[smem:$0x3FD2] =	sst s25  }
0xa6: {  	s4 =	sshll.u32 s26, $0x1;
	_ =	strace $0x80000046;
	[dreg:$0x1] =	wrdreg $0xFFFFFFFF  }
0xa7: {  	s28 =	simm.s32 $_size_execute0_lowered;
	s2 =	sadd.s32 s2, s4;
	[dreg:$0x0] =	wrdreg $0x0  }
0xa8: {  	s4 =	sshll.u32 s28, $0x1;
	[dreg:$0x2] =	wrdreg s2  }
0xa9: {  	[dreg:$0x3] =	wrdreg s4  }
0xaa: {  	[dreg:$0x4] =	wrdreg $0xC0  }
0xab: {  	_ =	task [dreg:s6], $0x5FFFF  }
0xac: {  	[dreg:$0x1] =	wrdreg $0xFFFFFFFF  }
0xad: {  	[dreg:$0x0] =	wrdreg $0x60  }
0xae: {  	[dreg:$0x2] =	wrdreg s24  }
0xaf: {  	[dreg:$0x3] =	wrdreg $0x9  }
0xb0: {  	_ =	task.clear_ibuf [dreg:s6], $0x4FFFF;
	_ =	strace $0x90000046  }
0xb1: {  	s29 =	simm.s32 $0x9;
	_ =	strace $0x80000048  }
0xb2: {  	_ =	swait.ge [sflag:s29], $0x1  }
0xb3: {  	[sflag:s29] =	ssyncadd.s32 $0xFFFFFFFF  }
0xb4: {  	_ =	strace $0x90000048  }
0xb5: {  	_ =	sfence  }
0xb6: {  	s30 =	sld [smem:$0x0];
	_ =	sdelay $0x2  }
0xb7: {  	s31 =	sshll.u32 s1, $0xD;
	s1 =	sshrl.u32 s1, $0x2  }
0xb8: {  	s3 =	sand.u32 $0x4000, s31;
	s1 =	sadd.s32 s1, s30  }
0xb9: {  	s0 =	sor.u32 s3, s0;
	s1 =	sshll.u32 s1, $0x11  }
0xba: {  	s0 =	sor.u32 s1, s0  }
0xbb: {  	s0 =	sadd.s32 $0x8F2B, s0  }
0xbc: {  	[sflag:s0] =	ssyncadd.remote.s32 $0x1  }
0xbd: {  	_ =	sfence.sel $0xFFFF  }
0xbe: {  	[dreg:$0x0] =	wrdreg $0xFFFFFFFF;
	(pc) =	sbr.abs _section_cstart, $3  }
0xbf: {  	[dreg:$0x1] =	wrdreg $0xFFFFFFFF  }
0xc0: {  	_ =	task.clear_ibuf [dreg:s6], $0x2FFFF;
	_ =	strace $0x9FFFFFFF  }
0xc1: {  	(tm) =	ssettm $0x7FFFFFFF  }
tec
execute0_lowered:
.L_overlay_start_1:
0x0: {  	(tag) =	ssettag $0x1  }
0x1: {  	s7 =	rddreg [dreg:$0x0]  }
0x2: {  	s0 =	rddreg [dreg:$0x1];
	_ =	strace $0x80000047  }
0x3: {  	s1 =	srdreg.scid;
	s4 =	simm.s32 $0x1;
	s9 =	simm.s32 $0x3  }
0x4: {  	s11 =	simm.s32 $0x0;
	p0 =	por $0x0, $0x0;
	s5 =	sshll.u32 s1, $0x4  }
.Ltmp0:
0x5: {  	s1 =	stileid.u32;
	s5 =	sand.u32 $0x10, s5;
	(pc) =	sbr.rel .LBB2_1-.Ltmp0, $4  }
0x6: {  	s2 =	sadd.s32 $0x5600, s7;
	s3 =	sadd.s32 $0x65600, s7;
	s6 =	sor.u32 s1, s5  }
0x7: {  	[sflag:s4] =	ssyncpa.u1 $0x0;
	s5 =	simm.s32 $0x2;
	s6 =	sshll.u32 s6, $0x8  }
0x8: {  	s7 =	sadd.s32 $0x65A00, s7;
	[sflag:s5] =	ssyncpa.u1 $0x0;
	s8 =	sadd.s32 $0x100, s6  }
0x9: {  	vm0 =	vmmov $0xff;
	vm1 =	vcmask $0x3F20;
	[sflag:s9] =	ssyncpa.u1 $0x0;
	s10 =	smov.u32 s6;
	s9 =	simm.s32 $0x0  }
.LBB2_9:
0xa: {  	p1 =	slt.u32 s9, $0x2;
	s11 =	sadd.s32 $0x80, s10  }
0xb: {  	s13 =	smov.u32 s6;
	s9 =	sadd.s32 $0x1, s9;
	p2 =	slt.s32 s11, s8  }
0xc: {  	s13 =	smov.u32 @p2 s11;
	p2 =	sne.s32 s9, $0x4  }
.Ltmp1:
0xd: {  	_ = 	snop;
	(pc) =	sbr.rel @!p2 .LBB2_10-.Ltmp1, $4  }
0xe: {  	s12 =	simm.s32 @!p1 $0x3  }
0xf: {  	_ =	swait.ge @!p1 [sflag:s12], $0xC000  }
0x10: {  	p0 =	por !p0, !p0;
	[sflag:s12] =	ssyncset.done @!p1 $0x0  }
0x11: {  	s11 =	smov.u32 s10;
	s10 =	smov.u32 s13;
	[sflag:s12] =	ssyncadd.s32 @!p1 $0xFFFF4000  }
.LBB2_1:
0x12: {  	p1 =	sgt.u32 s9, $0x1  }
0x13: {  	s12 =	sshll.u32 @!p1 s9, $0x7;
	s13 =	sshrl.u32 @!p1 s10, $0x3  }
0x14: {  	s14 =	sand.u32 @!p1 $0x7, s10;
	s12 =	sxor.u32 @!p1 $0x80, s12;
	s13 =	sadd.s32 @!p1 s3, s13  }
0x15: {  	[tilespmem:s12], [sflag:$0x2] =	stream.linear.gather @!p1 [hbm4b:s13+s14], $0x80, $0x38;
	[tilespmem:$0x18100] =	vst v63  }
0x16: {  	p1 =	seq.s32 s9, $0x0  }
0x17: {  	p2 =	seq.s32 @!p1 s9, $0x3  }
0x18: {  	p1 =	por p1, p2  }
.Ltmp2:
0x19: {  	_ = 	snop;
	(pc) =	sbr.rel @p1 .LBB2_9-.Ltmp2, $1  }
0x1a: {  	_ =	sdelay $0x3  }
0x1b: {  	s12 =	simm.s32 $0x1  }
0x1c: {  	s12 =	simm.s32 @!p0 $0x0  }
0x1d: {  	s12 =	smul.u32 $0x30000, s12;
	_ =	sdelay $0x1  }
0x1e: {  	_ =	swait.ge [sflag:s5], $0x80;
	s13 =	sand.u32 $0x1, s9;
	s12 =	sshrl.u32 s12, $0x2  }
0x1f: {  	s14 =	simm.s32 $0x0;
	[sflag:s5] =	ssyncset.done $0x0;
	s12 =	sor.u32 $0x100, s12  }
0x20: {  	s13 =	sshll.u32 s13, $0x7;
	[sflag:s5] =	ssyncadd.s32 $0xFFFFFF80;
	s15 =	smov.u32 s12  }
.LBB2_3:
0x21: {  	s16 =	sshll.u32 s14, $0x4  }
0x22: {  	s16 =	sand.u32 $0x3FFFFFF0, s16  }
0x23: {  	s16 =	sadd.s32 s16, s13  }
0x24: {  	v0 =	vld.msk [tilespmem:s16+$0x0 ss:$0x1], $0xffff;
	_ =	sdelay $0x4  }
0x25: {  	v1 =	vshrl.u32 v0, $0x4  }
0x26: {  	vm2 =	veq.s32 v0, $0x80000000;
	v1 =	vand.u32 $0x1FF, v1  }
0x27: {  	v0 =	vand.u32 $0xF, v0;
	v1 =	vsel vm2, $0xFFFFFFFF, v1  }
0x28: {  	v0 =	vmul.u32 $0x30000, v0;
	v2 =	vshrl.u32 v1, $0x3  }
0x29: {  	v2 =	vmul.u32 $0xC00, v2  }
0x2a: {  	v0 =	vsel vm2, $0xFFFD0000, v0;
	v1 =	vshll.u32 v1, $0x7  }
0x2b: {  	v1 =	vand.u32 $0x380, v1;
	v0 =	vadd.s32 v0, v2  }
0x2c: {  	v0 =	vor.u32 v1, v0  }
0x2d: {  	v0 =	vshrl.u32 v0, $0x3;
	_ =	sdelay $0x3  }
0x2e: {  	s17 =	sadd.s32 $0x0, s15  }
0x2f: {  	[tilespmem:s17], [sflag:$0x1] =	stream.indirect_vreg.gather [hbm:s2], $0x80, v0, vm0, $0x38;
	[tilespmem:$0x18100] =	vst v63  }
0x30: {  	s16 =	simm.s32 $0x1000;
	v1 =	vadd.s32 $0x80, v0;
	s17 =	sadd.s32 $0xC00, s17  }
.LBB2_4:
0x31: {  	[tilespmem:s17], [sflag:$0x1] =	stream.indirect_vreg.gather [hbm:s2], $0x80, v0, vm1, $0x38;
	[tilespmem:$0x18100] =	vst v63  }
0x32: {  	v0 =	vmov v1;
	s17 =	smov.u32 s16;
	p1 =	sne.s32 s16, $0x2000  }
.Ltmp3:
0x33: {  	s16 =	sadd.s32 $0x1000, s16;
	(pc) =	sbr.rel @p1 .LBB2_4-.Ltmp3, $4  }
0x34: {  	s17 =	sshra.s32 s17, $0x2  }
0x35: {  	s17 =	sadd.s32 s17, s15  }
0x36: {  	[tilespmem:s17], [sflag:$0x1] =	stream.indirect_vreg.gather [hbm:s2], $0x80, v1, vm0, $0x38;
	[tilespmem:$0x18100] =	vst v63  }
0x37: {  	s17 =	sadd.s32 $0xC00, s17;
	v1 =	vadd.s32 $0x80, v1  }
0x38: {  	s14 =	sadd.s32 $0x1, s14  }
0x39: {  	p1 =	sne.s32 s14, $0x8  }
.Ltmp4:
0x3a: {  	_ = 	snop;
	(pc) =	sbr.rel @p1 .LBB2_3-.Ltmp4, $3  }
0x3b: {  	_ =	sdelay $0x1  }
0x3c: {  	[tilespmem:s17], [sflag:$0x1] =	stream.indirect_vreg.gather [hbm:s2], $0x80, v0, vm1, $0x38;
	[tilespmem:$0x18100] =	vst v63  }
0x3d: {  	s15 =	sadd.s32 $0x1800, s15  }
0x3e: {  	s13 =	sshrl.u32 s11, $0x3  }
0x3f: {  	s13 =	smul.u32 $0x180, s13  }
0x40: {  	s31 =	sshll.u32 s11, $0x4  }
0x41: {  	_ =	swait.ge [sflag:s4], $0xC000;
	s11 =	sand.u32 $0x70, s31;
	s13 =	sadd.s32 s13, s7  }
0x42: {  	s14 =	sadd.s32 $0xC00, s12;
	[sflag:s4] =	ssyncset.done $0x0;
	s11 =	sadd.s32 s11, s13  }
0x43: {  	[sflag:s4] =	ssyncadd.s32 $0xFFFF4000;
	s13 =	simm.s32 $0x180;
	s15 =	sadd.s32 $0x0, s11  }
.LBB2_7:
0x44: {  	[hbm:s15] =	stream.linear.scatter [tilespmem:s12], [sflag:$0x3], $0xC00, $0x38;
	[tilespmem:$0x18100] =	vst v63  }
0x45: {  	s15 =	smov.u32 s13;
	s12 =	smov.u32 s14;
	p1 =	sne.s32 s13, $0x1680  }
.Ltmp5:
0x46: {  	s13 =	sadd.s32 $0x180, s13;
	(pc) =	sbr.rel @p1 .LBB2_7-.Ltmp5, $2  }
0x47: {  	_ =	sdelay $0x2  }
0x48: {  	s14 =	sadd.s32 $0xC00, s14;
	s15 =	sadd.s32 s15, s11  }
.Ltmp6:
0x49: {  	(pc) =	sbr.rel .LBB2_9-.Ltmp6, $2  }
0x4a: {  	_ =	sdelay $0x2  }
0x4b: {  	[hbm:s15] =	stream.linear.scatter [tilespmem:s12], [sflag:$0x3], $0xC00, $0x38;
	[tilespmem:$0x18100] =	vst v63  }
.LBB2_10:
0x4c: {  	_ =	sfence.sel $0x180000  }
0x4d: {  	s2 =	simm.s32 $0x2;
	[bflag:$0x0] =	sbarrier.arrive $0xFFFF  }
0x4e: {  	s30 =	simm.s32 $0x3;
	[sflag:s2] =	ssyncpa.u1 $0x1  }
0x4f: {  	s31 =	simm.s32 $0x1;
	[sflag:s30] =	ssyncpa.u1 $0x1  }
0x50: {  	[sflag:s31] =	ssyncpa.u1 $0x1  }
0x51: {  	p0 =	sne.s32 s1, $0x0;
	_ =	strace $0x90000047  }
0x52: {  	s0 =	sadd.s32 @!p0 $0x100000, s0;
	[bflag:$0x2] =	sbarrier.arrive $0xFFFF  }
0x53: {  	[sflag:s0] =	ssyncadd.tile.s32 @!p0 $0x1;
	_ =	shalt  }
.Lfunc_end2:
_tile_overlayer_lowered:
.L_overlay_start_2:
0x54: {  	(tag) =	ssettag $0x2  }
0x55: {  	s0 =	rddreg [dreg:$0x0];
	s2 =	stileid.u32  }
0x56: {  	s1 =	rddreg [dreg:$0x1];
	p0 =	sne.s32 s2, $0x0  }
0x57: {  	s3 =	rddreg [dreg:$0x2];
	[bflag:$0x3] =	sbarrier.arrive $0xFFFF;
	s2 =	simm.s32 @!p0 $0x1C01  }
0x58: {  	[timem:s3], [sflag:s2] =	dma.local @!p0 [hbm:s0], s1  }
0x59: {  	s0 =	simm.s32 @!p0 $0x1  }
0x5a: {  	_ =	swait.ge @!p0 [sflag:s0], s1  }
0x5b: {  	s1 =	ssub.s32 @!p0 $0x0, s1;
	[sflag:s0] =	ssyncset.done @!p0 $0x0  }
0x5c: {  	[sflag:s0] =	ssyncadd.s32 @!p0 s1  }
0x5d: {  	[bflag:$0x3] =	sbarrier.arrive $0xFFFF  }
0x5e: {  	_ =	shalt  }

</sc_bundles>
